<compile_context>
chip_gen: v7x
topology: tpu7x:2x2x1
jax: 0.10.2.dev20260603
libtpu: 0.0.44.dev20260713+nightly
codegen_flags: <defaults>
</compile_context>

<pallas_src>
import functools

import jax
import jax.numpy as jnp
from jax import lax
from jax.experimental import pallas as pl
from jax.experimental.pallas import tpu as pltpu
from jax.experimental.pallas import tpu_sc as plsc

B = 16384
NF = 1_000_000
NW = 32
RANGE = 31256
NV = B // 16


def _sc_body(x1, idx1, w, part_hbm, idx_all, x_all, wr, tag, acc_v, wsem,
             xsem):
    cid = lax.axis_index("c")
    sid = lax.axis_index("s")
    wid = sid * 2 + cid
    base = wid * RANGE
    base_ld = jnp.minimum(base, NF - RANGE)
    shift = base - base_ld
    lane = lax.broadcasted_iota(jnp.int32, (16,), 0)

    xcopy = pltpu.async_copy(x1, x_all, xsem)
    wcopy = pltpu.async_copy(w.at[pl.ds(base_ld, RANGE)], wr, wsem)
    pltpu.sync_copy(idx1, idx_all)

    zero16 = jnp.zeros((16,), jnp.float32)
    one16 = jnp.ones((16,), jnp.float32)

    @plsc.parallel_loop(0, NV, unroll=8, carry=jnp.int32(0))
    def _scan(v, carry):
        iv = idx_all[pl.ds(v * 16, 16)]
        pv = v * 16 + lane
        li0 = iv - base
        m = (li0 >= 0) & (li0 < RANGE)
        li = jnp.where(m, li0, 0)
        plsc.store_scatter(tag, [li], pv, mask=m)
        return carry

    del _scan

    wcopy.wait()
    xcopy.wait()

    @plsc.parallel_loop(0, NV, unroll=4, carry=(zero16, zero16))
    def _win(v, carry):
        a, ns = carry
        iv = idx_all[pl.ds(v * 16, 16)]
        xv = x_all[pl.ds(v * 16, 16)]
        pv = v * 16 + lane
        li0 = iv - base
        m = (li0 >= 0) & (li0 < RANGE)
        li = jnp.where(m, li0, 0)
        t = plsc.load_gather(tag, [li], mask=m)
        win = m & (t == pv)
        wv = plsc.load_gather(wr, [li + shift], mask=win)
        a = a + jnp.where(win, wv * xv, zero16)
        ns = ns + jnp.where(m & (pv > t), one16, zero16)
        return a, ns

    acc, needsum = _win
    acc_v[...] = acc

    def _fix(nd, li, pv, depth):
        if depth == 0:
            return

        @pl.when(jnp.max(plsc.all_reduce_population_count(nd)) != 0)
        def _():
            plsc.store_scatter(tag, [li], pv, mask=nd)
            t = plsc.load_gather(tag, [li], mask=nd)
            _fix(nd & (pv > t), li, pv, depth - 1)

    @pl.when(jnp.max(needsum) != 0.0)
    def _():
        def fix_body(v, carry):
            iv = idx_all[pl.ds(v * 16, 16)]
            pv = v * 16 + lane
            li0 = iv - base
            m = (li0 >= 0) & (li0 < RANGE)
            li = jnp.where(m, li0, 0)
            t = plsc.load_gather(tag, [li], mask=m)
            _fix(m & (pv > t), li, pv, 15)
            return carry

        lax.fori_loop(0, NV, fix_body, jnp.int32(0))

        def repair_body(v, a):
            iv = idx_all[pl.ds(v * 16, 16)]
            xv = x_all[pl.ds(v * 16, 16)]
            pv = v * 16 + lane
            li0 = iv - base
            m = (li0 >= 0) & (li0 < RANGE)
            li = jnp.where(m, li0, 0)
            t2 = plsc.load_gather(tag, [li], mask=m)
            win = m & (t2 == pv)
            wv = plsc.load_gather(wr, [li + shift], mask=win)
            return a + jnp.where(win, wv * xv, zero16)

        acc_v[...] = lax.fori_loop(0, NV, repair_body, zero16)
    pltpu.sync_copy(acc_v, part_hbm.at[wid])


_sc_call = functools.partial(
    pl.kernel,
    out_type=jax.ShapeDtypeStruct((NW, 16), jnp.float32),
    mesh=plsc.VectorSubcoreMesh(core_axis_name="c", subcore_axis_name="s"),
    scratch_types=[
        pltpu.VMEM((B,), jnp.int32),
        pltpu.VMEM((B,), jnp.float32),
        pltpu.VMEM((RANGE,), jnp.float32),
        pltpu.VMEM((RANGE,), jnp.int32),
        pltpu.VMEM((16,), jnp.float32),
        pltpu.SemaphoreType.DMA,
        pltpu.SemaphoreType.DMA,
    ],
    compiler_params=pltpu.CompilerParams(needs_layout_passes=False),
)(_sc_body)


def _tc_finish(p_ref, b_ref, o_ref):
    s = jnp.sum(p_ref[...]) + b_ref[0, 0]
    o_ref[...] = jnp.broadcast_to(s, (1, 1))


def kernel(x, idx, weight, bias, in_features):
    part = _sc_call(x, idx, weight)
    out = pl.pallas_call(
        _tc_finish,
        out_shape=jax.ShapeDtypeStruct((1, 1), jnp.float32),
    )(part, bias.reshape(1, 1).astype(jnp.float32))
    return out.reshape(1)

# --- scband reference (transcript-rebuilt; emitter-appended) ---
"""Pipeline reference for scband-mask-linear-78950088835527 (READ-ONLY COPY).

The authoritative reference and input builder live on the scoring server;
editing this copy changes nothing except your own understanding.
"""

import jax, jax.numpy as jnp
import numpy as np

IN_FEATURES = 1000000
BATCH = 16384


def setup_inputs(seed: int = 0) -> dict:
    key = jax.random.key(seed)
    k1, k2, k3, k4 = jax.random.split(key, 4)
    x = jax.random.normal(k1, (BATCH,), dtype=jnp.float32)
    idx = jax.random.randint(k2, (BATCH,), 0, IN_FEATURES, dtype=jnp.int32)
    stdv = 1.0 / np.sqrt(IN_FEATURES)
    weight = jax.random.uniform(k3, (IN_FEATURES,), dtype=jnp.float32, minval=-stdv, maxval=stdv)
    bias = jax.random.uniform(k4, (1,), dtype=jnp.float32, minval=-stdv, maxval=stdv)
    return {"x": x, "idx": idx, "weight": weight, "bias": bias, "in_features": IN_FEATURES}


def reference(x, idx, weight, bias, in_features):
    n = weight.shape[0]
    # mask = zeros(in_features); mask[idx] = x.squeeze()  (scatter-overwrite)
    mask = jnp.zeros((n,), dtype=x.dtype).at[idx].set(x.reshape(-1))
    # output = weight @ mask + bias
    output = jnp.matmul(weight, mask)
    residual = (jnp.asarray(in_features) - n).astype(x.dtype) * jnp.zeros((), dtype=x.dtype)
    return output + bias + residual

if __name__ == "__main__":
    import jax
    _d = setup_inputs()
    print(jax.jit(kernel)(*tuple(_d.values())))

</pallas_src>

<mosaic_0001>
#map = affine_map<(d0, d1) -> (0)>
#map1 = affine_map<(d0, d1) -> (0, 0)>
module attributes {stable_mosaic.version = 14 : i64} {
  func.func @_sc_body(%arg0: i32, %arg1: i32, %arg2: memref<16384xf32, #tpu.memory_space<hbm>>, %arg3: memref<16384xi32, #tpu.memory_space<hbm>>, %arg4: memref<1000000xf32, #tpu.memory_space<hbm>>, %arg5: memref<32x16xf32, #tpu.memory_space<hbm>>, %arg6: memref<16384xi32, #tpu.memory_space<vmem>>, %arg7: memref<16384xf32, #tpu.memory_space<vmem>>, %arg8: memref<31256xf32, #tpu.memory_space<vmem>>, %arg9: memref<31256xi32, #tpu.memory_space<vmem>>, %arg10: memref<16xf32, #tpu.memory_space<vmem>>, %arg11: memref<!tpu.dma_semaphore, #tpu.memory_space<semaphore_mem>>, %arg12: memref<!tpu.dma_semaphore, #tpu.memory_space<semaphore_mem>>) attributes {dimension_semantics = [#tpu.dimension_semantics<core_parallel>, #tpu.dimension_semantics<subcore_parallel>], iteration_bounds = array<i64: 2, 16>, scalar_prefetch = 0 : i64, scratch_operands = 7 : i64, tpu.core_type = #tpu.core_type<sc_vector_subcore>, window_params = [{transform_indices = #map}, {transform_indices = #map}, {transform_indices = #map}, {transform_indices = #map1}]} {
    %mul3A = arith.constant 2 : i32
    %mul3A_0 = arith.muli %arg1, %mul3A : i32
    %add3A = arith.addi %mul3A_0, %arg0 : i32
    %mul3A_1 = arith.constant 31256 : i32
    %mul3A_2 = arith.muli %add3A, %mul3A_1 : i32
    %min3A = arith.constant 968744 : i32
    %min3A_3 = arith.minsi %mul3A_2, %min3A : i32
    %sub3A = arith.subi %mul3A_2, %min3A_3 : i32
    %iota3A = tpu.iota {dimensions = array<i32: 0>} : vector<16xi32>
    tpu.enqueue_dma source(%arg2 : memref<16384xf32, #tpu.memory_space<hbm>>) target(%arg7 : memref<16384xf32, #tpu.memory_space<vmem>>) target_semaphore(%arg12 : memref<!tpu.dma_semaphore, #tpu.memory_space<semaphore_mem>>)
    %dma_start3A = tpu.memref_slice %arg4[%min3A_3] : memref<1000000xf32, #tpu.memory_space<hbm>> -> memref<31256xf32, #tpu.memory_space<hbm>>
    %dma_start3A_4 = tpu.memref_slice %arg4[%min3A_3] : memref<1000000xf32, #tpu.memory_space<hbm>> -> memref<31256xf32, #tpu.memory_space<hbm>>
    tpu.enqueue_dma source(%dma_start3A_4 : memref<31256xf32, #tpu.memory_space<hbm>>) target(%arg8 : memref<31256xf32, #tpu.memory_space<vmem>>) target_semaphore(%arg11 : memref<!tpu.dma_semaphore, #tpu.memory_space<semaphore_mem>>)
    "tpu.region"() ({
      %run_scoped3A = tpu.sem_alloc : memref<!tpu.dma_semaphore, #tpu.memory_space<semaphore_mem>>
      tpu.enqueue_dma source(%arg3 : memref<16384xi32, #tpu.memory_space<hbm>>) target(%arg6 : memref<16384xi32, #tpu.memory_space<vmem>>) target_semaphore(%run_scoped3A : memref<!tpu.dma_semaphore, #tpu.memory_space<semaphore_mem>>)
      tpu.wait_dma2 semaphore(%run_scoped3A : memref<!tpu.dma_semaphore, #tpu.memory_space<semaphore_mem>>) src(%arg3 : memref<16384xi32, #tpu.memory_space<hbm>>) dst(%arg6 : memref<16384xi32, #tpu.memory_space<vmem>>)
      tpu.yield
    }) : () -> ()
    %broadcast_in_dim3A = arith.constant 0.000000e+00 : f32
    %broadcast_in_dim3A_5 = vector.broadcast %broadcast_in_dim3A : f32 to vector<16xf32>
    %broadcast_in_dim3A_6 = arith.constant 1.000000e+00 : f32
    %broadcast_in_dim3A_7 = vector.broadcast %broadcast_in_dim3A_6 : f32 to vector<16xf32>
    %parallel_loop3A = arith.constant 0 : i32
    %parallel_loop3A_8 = arith.constant 1024 : i32
    %parallel_loop3A_9 = arith.constant 1 : i32
    %parallel_loop3A_10 = arith.constant 0 : i32
    %parallel_loop3A_11 = scf.for %parallel_loop3A_23 = %parallel_loop3A to %parallel_loop3A_8 step %parallel_loop3A_9 iter_args(%parallel_loop3A_24 = %parallel_loop3A_10) -> (i32)  : i32 {
      %parallel_loop3A_25 = arith.constant 16 : i32
      %parallel_loop3A_26 = arith.muli %parallel_loop3A_23, %parallel_loop3A_25 : i32
      %parallel_loop3A_27 = arith.index_cast %parallel_loop3A_26 : i32 to index
      %parallel_loop3A_28 = tpu.vector_load %arg6[%parallel_loop3A_27] {strides = array<i32>} : memref<16384xi32, #tpu.memory_space<vmem>>, vector<16xi32>,
      %parallel_loop3A_29 = arith.constant 16 : i32
      %parallel_loop3A_30 = arith.muli %parallel_loop3A_23, %parallel_loop3A_29 : i32
      %parallel_loop3A_31 = vector.broadcast %parallel_loop3A_30 : i32 to vector<16xi32>
      %parallel_loop3A_32 = arith.addi %parallel_loop3A_31, %iota3A : vector<16xi32>
      %parallel_loop3A_33 = vector.broadcast %mul3A_2 : i32 to vector<16xi32>
      %parallel_loop3A_34 = arith.subi %parallel_loop3A_28, %parallel_loop3A_33 : vector<16xi32>
      %parallel_loop3A_35 = arith.constant 0 : i32
      %parallel_loop3A_36 = vector.broadcast %parallel_loop3A_35 : i32 to vector<16xi32>
      %parallel_loop3A_37 = arith.cmpi sge, %parallel_loop3A_34, %parallel_loop3A_36 : vector<16xi32>
      %parallel_loop3A_38 = arith.constant 31256 : i32
      %parallel_loop3A_39 = vector.broadcast %parallel_loop3A_38 : i32 to vector<16xi32>
      %parallel_loop3A_40 = arith.cmpi slt, %parallel_loop3A_34, %parallel_loop3A_39 : vector<16xi32>
      %parallel_loop3A_41 = arith.andi %parallel_loop3A_37, %parallel_loop3A_40 : vector<16xi1>
      %parallel_loop3A_42 = arith.constant 0 : i32
      %parallel_loop3A_43 = vector.broadcast %parallel_loop3A_42 : i32 to vector<16xi32>
      %parallel_loop3A_44 = arith.select %parallel_loop3A_41, %parallel_loop3A_34, %parallel_loop3A_43 : vector<16xi1>, vector<16xi32>
      tpu.vector_store_idx %arg9[%parallel_loop3A_44], %parallel_loop3A_32 masked %parallel_loop3A_41 : memref<31256xi32, #tpu.memory_space<vmem>>[vector<16xi32>], vector<16xi32>, vector<16xi1>
      scf.yield %parallel_loop3A_24 : i32
    } {sc.loop_unroll_factor = 8 : i64, sc.parallel_access}
    %dma_wait3A = tpu.memref_slice %arg4[%min3A_3] : memref<1000000xf32, #tpu.memory_space<hbm>> -> memref<31256xf32, #tpu.memory_space<hbm>>
    %dma_wait3A_12 = tpu.memref_slice %arg4[%min3A_3] : memref<1000000xf32, #tpu.memory_space<hbm>> -> memref<31256xf32, #tpu.memory_space<hbm>>
    tpu.wait_dma2 semaphore(%arg11 : memref<!tpu.dma_semaphore, #tpu.memory_space<semaphore_mem>>) src(%dma_wait3A_12 : memref<31256xf32, #tpu.memory_space<hbm>>) dst(%arg8 : memref<31256xf32, #tpu.memory_space<vmem>>)
    tpu.wait_dma2 semaphore(%arg12 : memref<!tpu.dma_semaphore, #tpu.memory_space<semaphore_mem>>) src(%arg2 : memref<16384xf32, #tpu.memory_space<hbm>>) dst(%arg7 : memref<16384xf32, #tpu.memory_space<vmem>>)
    %parallel_loop3A_13 = arith.constant 0 : i32
    %parallel_loop3A_14 = arith.constant 1024 : i32
    %parallel_loop3A_15 = arith.constant 1 : i32
    %parallel_loop3A_16:2 = scf.for %parallel_loop3A_23 = %parallel_loop3A_13 to %parallel_loop3A_14 step %parallel_loop3A_15 iter_args(%parallel_loop3A_24 = %broadcast_in_dim3A_5, %parallel_loop3A_25 = %broadcast_in_dim3A_5) -> (vector<16xf32>, vector<16xf32>)  : i32 {
      %parallel_loop3A_26 = arith.constant 16 : i32
      %parallel_loop3A_27 = arith.muli %parallel_loop3A_23, %parallel_loop3A_26 : i32
      %parallel_loop3A_28 = arith.index_cast %parallel_loop3A_27 : i32 to index
      %parallel_loop3A_29 = tpu.vector_load %arg6[%parallel_loop3A_28] {strides = array<i32>} : memref<16384xi32, #tpu.memory_space<vmem>>, vector<16xi32>,
      %parallel_loop3A_30 = arith.constant 16 : i32
      %parallel_loop3A_31 = arith.muli %parallel_loop3A_23, %parallel_loop3A_30 : i32
      %parallel_loop3A_32 = arith.index_cast %parallel_loop3A_31 : i32 to index
      %parallel_loop3A_33 = tpu.vector_load %arg7[%parallel_loop3A_32] {strides = array<i32>} : memref<16384xf32, #tpu.memory_space<vmem>>, vector<16xf32>,
      %parallel_loop3A_34 = arith.constant 16 : i32
      %parallel_loop3A_35 = arith.muli %parallel_loop3A_23, %parallel_loop3A_34 : i32
      %parallel_loop3A_36 = vector.broadcast %parallel_loop3A_35 : i32 to vector<16xi32>
      %parallel_loop3A_37 = arith.addi %parallel_loop3A_36, %iota3A : vector<16xi32>
      %parallel_loop3A_38 = vector.broadcast %mul3A_2 : i32 to vector<16xi32>
      %parallel_loop3A_39 = arith.subi %parallel_loop3A_29, %parallel_loop3A_38 : vector<16xi32>
      %parallel_loop3A_40 = arith.constant 0 : i32
      %parallel_loop3A_41 = vector.broadcast %parallel_loop3A_40 : i32 to vector<16xi32>
      %parallel_loop3A_42 = arith.cmpi sge, %parallel_loop3A_39, %parallel_loop3A_41 : vector<16xi32>
      %parallel_loop3A_43 = arith.constant 31256 : i32
      %parallel_loop3A_44 = vector.broadcast %parallel_loop3A_43 : i32 to vector<16xi32>
      %parallel_loop3A_45 = arith.cmpi slt, %parallel_loop3A_39, %parallel_loop3A_44 : vector<16xi32>
      %parallel_loop3A_46 = arith.andi %parallel_loop3A_42, %parallel_loop3A_45 : vector<16xi1>
      %parallel_loop3A_47 = arith.constant 0 : i32
      %parallel_loop3A_48 = vector.broadcast %parallel_loop3A_47 : i32 to vector<16xi32>
      %parallel_loop3A_49 = arith.select %parallel_loop3A_46, %parallel_loop3A_39, %parallel_loop3A_48 : vector<16xi1>, vector<16xi32>
      %parallel_loop3A_50 = tpu.vector_load_idx %arg9[%parallel_loop3A_49] masked %parallel_loop3A_46 : memref<31256xi32, #tpu.memory_space<vmem>>[vector<16xi32>], vector<16xi32>, vector<16xi1>
      %parallel_loop3A_51 = arith.cmpi eq, %parallel_loop3A_50, %parallel_loop3A_37 : vector<16xi32>
      %parallel_loop3A_52 = arith.andi %parallel_loop3A_46, %parallel_loop3A_51 : vector<16xi1>
      %parallel_loop3A_53 = vector.broadcast %sub3A : i32 to vector<16xi32>
      %parallel_loop3A_54 = arith.addi %parallel_loop3A_49, %parallel_loop3A_53 : vector<16xi32>
      %parallel_loop3A_55 = tpu.vector_load_idx %arg8[%parallel_loop3A_54] masked %parallel_loop3A_52 : memref<31256xf32, #tpu.memory_space<vmem>>[vector<16xi32>], vector<16xf32>, vector<16xi1>
      %parallel_loop3A_56 = arith.mulf %parallel_loop3A_55, %parallel_loop3A_33 : vector<16xf32>
      %parallel_loop3A_57 = arith.select %parallel_loop3A_52, %parallel_loop3A_56, %broadcast_in_dim3A_5 : vector<16xi1>, vector<16xf32>
      %parallel_loop3A_58 = arith.addf %parallel_loop3A_24, %parallel_loop3A_57 : vector<16xf32>
      %parallel_loop3A_59 = arith.cmpi sgt, %parallel_loop3A_37, %parallel_loop3A_50 : vector<16xi32>
      %parallel_loop3A_60 = arith.andi %parallel_loop3A_46, %parallel_loop3A_59 : vector<16xi1>
      %parallel_loop3A_61 = arith.select %parallel_loop3A_60, %broadcast_in_dim3A_7, %broadcast_in_dim3A_5 : vector<16xi1>, vector<16xf32>
      %parallel_loop3A_62 = arith.addf %parallel_loop3A_25, %parallel_loop3A_61 : vector<16xf32>
      scf.yield %parallel_loop3A_58, %parallel_loop3A_62 : vector<16xf32>, vector<16xf32>
    } {sc.loop_unroll_factor = 4 : i64, sc.parallel_access}
    %swap3A = arith.constant 0 : index
    %swap3A_17 = tpu.vector_load %arg10[%swap3A] {strides = array<i32>} : memref<16xf32, #tpu.memory_space<vmem>>, vector<16xf32>,
    tpu.vector_store %arg10[%swap3A], %parallel_loop3A_16#0 {strides = array<i32>} : memref<16xf32, #tpu.memory_space<vmem>>, vector<16xf32>,
    %reduce_max3A = arith.constant true
    %reduce_max3A_18 = vector.broadcast %reduce_max3A : i1 to vector<16xi1>
    %reduce_max3A_19 = tpu.scan <max>, %parallel_loop3A_16#1 masked %reduce_max3A_18 : vector<16xf32>, vector<16xi1> -> vector<16xf32>
    %reduce_max3A_20 = vector.extract %reduce_max3A_19[15] : f32 from vector<16xf32>
    %ne3A = arith.constant 0.000000e+00 : f32
    %ne3A_21 = arith.cmpf one, %reduce_max3A_20, %ne3A : f32
    %convert_element_type3A = arith.extui %ne3A_21 : i1 to i32
    %cond3A = arith.constant 0 : i32
    %cond3A_22 = arith.cmpi ne, %convert_element_type3A, %cond3A : i32
    scf.if %cond3A_22 {
      %scan3A = arith.constant 0 : i32
      %scan3A_23 = arith.constant 0 : i32
      %scan3A_24 = arith.constant 1024 : i32
      %scan3A_25 = arith.addi %scan3A_23, %scan3A_24 : i32
      %scan3A_26 = arith.constant 1 : i32
      scf.for %scan3A_36 = %scan3A_23 to %scan3A_25 step %scan3A_26  : i32 {
        %mul3A_37 = arith.constant 16 : i32
        %mul3A_38 = arith.muli %scan3A_36, %mul3A_37 : i32
        %get3A = arith.index_cast %mul3A_38 : i32 to index
        %get3A_39 = tpu.vector_load %arg6[%get3A] {strides = array<i32>} : memref<16384xi32, #tpu.memory_space<vmem>>, vector<16xi32>,
        %mul3A_40 = arith.constant 16 : i32
        %mul3A_41 = arith.muli %scan3A_36, %mul3A_40 : i32
        %add3A_42 = vector.broadcast %mul3A_41 : i32 to vector<16xi32>
        %add3A_43 = arith.addi %add3A_42, %iota3A : vector<16xi32>
        %sub3A_44 = vector.broadcast %mul3A_2 : i32 to vector<16xi32>
        %sub3A_45 = arith.subi %get3A_39, %sub3A_44 : vector<16xi32>
        %ge3A = arith.constant 0 : i32
        %ge3A_46 = vector.broadcast %ge3A : i32 to vector<16xi32>
        %ge3A_47 = arith.cmpi sge, %sub3A_45, %ge3A_46 : vector<16xi32>
        %lt3A = arith.constant 31256 : i32
        %lt3A_48 = vector.broadcast %lt3A : i32 to vector<16xi32>
        %lt3A_49 = arith.cmpi slt, %sub3A_45, %lt3A_48 : vector<16xi32>
        %and3A = arith.andi %ge3A_47, %lt3A_49 : vector<16xi1>
        %jit3A = arith.constant 0 : i32
        %broadcast_in_dim3A_50 = vector.broadcast %jit3A : i32 to vector<16xi32>
        %select_n3A = arith.select %and3A, %sub3A_45, %broadcast_in_dim3A_50 : vector<16xi1>, vector<16xi32>
        %gather3A = tpu.vector_load_idx %arg9[%select_n3A] masked %and3A : memref<31256xi32, #tpu.memory_space<vmem>>[vector<16xi32>], vector<16xi32>, vector<16xi1>
        %gt3A = arith.cmpi sgt, %add3A_43, %gather3A : vector<16xi32>
        %and3A_51 = arith.andi %and3A, %gt3A : vector<16xi1>
        %all_reduce_population_count3A = tpu.all_reduce %and3A_51 {dim = 0 : i64, kind = #tpu.reduction_kind<sum>} : vector<16xi1> -> vector<16xi32>
        %reduce_max3A_52 = arith.constant true
        %reduce_max3A_53 = vector.broadcast %reduce_max3A_52 : i1 to vector<16xi1>
        %reduce_max3A_54 = arith.constant -2147483648 : i32
        %reduce_max3A_55 = vector.broadcast %reduce_max3A_54 : i32 to vector<16xi32>
        %reduce_max3A_56 = arith.xori %all_reduce_population_count3A, %reduce_max3A_55 : vector<16xi32>
        %reduce_max3A_57 = tpu.scan <max>, %reduce_max3A_56 masked %reduce_max3A_53 : vector<16xi32>, vector<16xi1> -> vector<16xi32>
        %reduce_max3A_58 = arith.xori %reduce_max3A_57, %reduce_max3A_55 : vector<16xi32>
        %reduce_max3A_59 = vector.extract %reduce_max3A_58[15] : i32 from vector<16xi32>
        %ne3A_60 = arith.constant 0 : i32
        %ne3A_61 = arith.cmpi ne, %reduce_max3A_59, %ne3A_60 : i32
        %convert_element_type3A_62 = arith.extui %ne3A_61 : i1 to i32
        %cond3A_63 = arith.constant 0 : i32
        %cond3A_64 = arith.cmpi ne, %convert_element_type3A_62, %cond3A_63 : i32
        scf.if %cond3A_64 {
          tpu.vector_store_idx %arg9[%select_n3A], %add3A_43 masked %and3A_51 : memref<31256xi32, #tpu.memory_space<vmem>>[vector<16xi32>], vector<16xi32>, vector<16xi1>
          %gather3A_65 = tpu.vector_load_idx %arg9[%select_n3A] masked %and3A_51 : memref<31256xi32, #tpu.memory_space<vmem>>[vector<16xi32>], vector<16xi32>, vector<16xi1>
          %gt3A_66 = arith.cmpi sgt, %add3A_43, %gather3A_65 : vector<16xi32>
          %and3A_67 = arith.andi %and3A_51, %gt3A_66 : vector<16xi1>
          %all_reduce_population_count3A_68 = tpu.all_reduce %and3A_67 {dim = 0 : i64, kind = #tpu.reduction_kind<sum>} : vector<16xi1> -> vector<16xi32>
          %reduce_max3A_69 = arith.constant true
          %reduce_max3A_70 = vector.broadcast %reduce_max3A_69 : i1 to vector<16xi1>
          %reduce_max3A_71 = arith.constant -2147483648 : i32
          %reduce_max3A_72 = vector.broadcast %reduce_max3A_71 : i32 to vector<16xi32>
          %reduce_max3A_73 = arith.xori %all_reduce_population_count3A_68, %reduce_max3A_72 : vector<16xi32>
          %reduce_max3A_74 = tpu.scan <max>, %reduce_max3A_73 masked %reduce_max3A_70 : vector<16xi32>, vector<16xi1> -> vector<16xi32>
          %reduce_max3A_75 = arith.xori %reduce_max3A_74, %reduce_max3A_72 : vector<16xi32>
          %reduce_max3A_76 = vector.extract %reduce_max3A_75[15] : i32 from vector<16xi32>
          %ne3A_77 = arith.constant 0 : i32
          %ne3A_78 = arith.cmpi ne, %reduce_max3A_76, %ne3A_77 : i32
          %convert_element_type3A_79 = arith.extui %ne3A_78 : i1 to i32
          %cond3A_80 = arith.constant 0 : i32
          %cond3A_81 = arith.cmpi ne, %convert_element_type3A_79, %cond3A_80 : i32
          scf.if %cond3A_81 {
            tpu.vector_store_idx %arg9[%select_n3A], %add3A_43 masked %and3A_67 : memref<31256xi32, #tpu.memory_space<vmem>>[vector<16xi32>], vector<16xi32>, vector<16xi1>
            %gather3A_82 = tpu.vector_load_idx %arg9[%select_n3A] masked %and3A_67 : memref<31256xi32, #tpu.memory_space<vmem>>[vector<16xi32>], vector<16xi32>, vector<16xi1>
            %gt3A_83 = arith.cmpi sgt, %add3A_43, %gather3A_82 : vector<16xi32>
            %and3A_84 = arith.andi %and3A_67, %gt3A_83 : vector<16xi1>
            %all_reduce_population_count3A_85 = tpu.all_reduce %and3A_84 {dim = 0 : i64, kind = #tpu.reduction_kind<sum>} : vector<16xi1> -> vector<16xi32>
            %reduce_max3A_86 = arith.constant true
            %reduce_max3A_87 = vector.broadcast %reduce_max3A_86 : i1 to vector<16xi1>
            %reduce_max3A_88 = arith.constant -2147483648 : i32
            %reduce_max3A_89 = vector.broadcast %reduce_max3A_88 : i32 to vector<16xi32>
            %reduce_max3A_90 = arith.xori %all_reduce_population_count3A_85, %reduce_max3A_89 : vector<16xi32>
            %reduce_max3A_91 = tpu.scan <max>, %reduce_max3A_90 masked %reduce_max3A_87 : vector<16xi32>, vector<16xi1> -> vector<16xi32>
            %reduce_max3A_92 = arith.xori %reduce_max3A_91, %reduce_max3A_89 : vector<16xi32>
            %reduce_max3A_93 = vector.extract %reduce_max3A_92[15] : i32 from vector<16xi32>
            %ne3A_94 = arith.constant 0 : i32
            %ne3A_95 = arith.cmpi ne, %reduce_max3A_93, %ne3A_94 : i32
            %convert_element_type3A_96 = arith.extui %ne3A_95 : i1 to i32
            %cond3A_97 = arith.constant 0 : i32
            %cond3A_98 = arith.cmpi ne, %convert_element_type3A_96, %cond3A_97 : i32
            scf.if %cond3A_98 {
              tpu.vector_store_idx %arg9[%select_n3A], %add3A_43 masked %and3A_84 : memref<31256xi32, #tpu.memory_space<vmem>>[vector<16xi32>], vector<16xi32>, vector<16xi1>
              %gather3A_99 = tpu.vector_load_idx %arg9[%select_n3A] masked %and3A_84 : memref<31256xi32, #tpu.memory_space<vmem>>[vector<16xi32>], vector<16xi32>, vector<16xi1>
              %gt3A_100 = arith.cmpi sgt, %add3A_43, %gather3A_99 : vector<16xi32>
              %and3A_101 = arith.andi %and3A_84, %gt3A_100 : vector<16xi1>
              %all_reduce_population_count3A_102 = tpu.all_reduce %and3A_101 {dim = 0 : i64, kind = #tpu.reduction_kind<sum>} : vector<16xi1> -> vector<16xi32>
              %reduce_max3A_103 = arith.constant true
              %reduce_max3A_104 = vector.broadcast %reduce_max3A_103 : i1 to vector<16xi1>
              %reduce_max3A_105 = arith.constant -2147483648 : i32
              %reduce_max3A_106 = vector.broadcast %reduce_max3A_105 : i32 to vector<16xi32>
              %reduce_max3A_107 = arith.xori %all_reduce_population_count3A_102, %reduce_max3A_106 : vector<16xi32>
              %reduce_max3A_108 = tpu.scan <max>, %reduce_max3A_107 masked %reduce_max3A_104 : vector<16xi32>, vector<16xi1> -> vector<16xi32>
              %reduce_max3A_109 = arith.xori %reduce_max3A_108, %reduce_max3A_106 : vector<16xi32>
              %reduce_max3A_110 = vector.extract %reduce_max3A_109[15] : i32 from vector<16xi32>
              %ne3A_111 = arith.constant 0 : i32
              %ne3A_112 = arith.cmpi ne, %reduce_max3A_110, %ne3A_111 : i32
              %convert_element_type3A_113 = arith.extui %ne3A_112 : i1 to i32
              %cond3A_114 = arith.constant 0 : i32
              %cond3A_115 = arith.cmpi ne, %convert_element_type3A_113, %cond3A_114 : i32
              scf.if %cond3A_115 {
                tpu.vector_store_idx %arg9[%select_n3A], %add3A_43 masked %and3A_101 : memref<31256xi32, #tpu.memory_space<vmem>>[vector<16xi32>], vector<16xi32>, vector<16xi1>
                %gather3A_116 = tpu.vector_load_idx %arg9[%select_n3A] masked %and3A_101 : memref<31256xi32, #tpu.memory_space<vmem>>[vector<16xi32>], vector<16xi32>, vector<16xi1>
                %gt3A_117 = arith.cmpi sgt, %add3A_43, %gather3A_116 : vector<16xi32>
                %and3A_118 = arith.andi %and3A_101, %gt3A_117 : vector<16xi1>
                %all_reduce_population_count3A_119 = tpu.all_reduce %and3A_118 {dim = 0 : i64, kind = #tpu.reduction_kind<sum>} : vector<16xi1> -> vector<16xi32>
                %reduce_max3A_120 = arith.constant true
                %reduce_max3A_121 = vector.broadcast %reduce_max3A_120 : i1 to vector<16xi1>
                %reduce_max3A_122 = arith.constant -2147483648 : i32
                %reduce_max3A_123 = vector.broadcast %reduce_max3A_122 : i32 to vector<16xi32>
                %reduce_max3A_124 = arith.xori %all_reduce_population_count3A_119, %reduce_max3A_123 : vector<16xi32>
                %reduce_max3A_125 = tpu.scan <max>, %reduce_max3A_124 masked %reduce_max3A_121 : vector<16xi32>, vector<16xi1> -> vector<16xi32>
                %reduce_max3A_126 = arith.xori %reduce_max3A_125, %reduce_max3A_123 : vector<16xi32>
                %reduce_max3A_127 = vector.extract %reduce_max3A_126[15] : i32 from vector<16xi32>
                %ne3A_128 = arith.constant 0 : i32
                %ne3A_129 = arith.cmpi ne, %reduce_max3A_127, %ne3A_128 : i32
                %convert_element_type3A_130 = arith.extui %ne3A_129 : i1 to i32
                %cond3A_131 = arith.constant 0 : i32
                %cond3A_132 = arith.cmpi ne, %convert_element_type3A_130, %cond3A_131 : i32
                scf.if %cond3A_132 {
                  tpu.vector_store_idx %arg9[%select_n3A], %add3A_43 masked %and3A_118 : memref<31256xi32, #tpu.memory_space<vmem>>[vector<16xi32>], vector<16xi32>, vector<16xi1>
                  %gather3A_133 = tpu.vector_load_idx %arg9[%select_n3A] masked %and3A_118 : memref<31256xi32, #tpu.memory_space<vmem>>[vector<16xi32>], vector<16xi32>, vector<16xi1>
                  %gt3A_134 = arith.cmpi sgt, %add3A_43, %gather3A_133 : vector<16xi32>
                  %and3A_135 = arith.andi %and3A_118, %gt3A_134 : vector<16xi1>
                  %all_reduce_population_count3A_136 = tpu.all_reduce %and3A_135 {dim = 0 : i64, kind = #tpu.reduction_kind<sum>} : vector<16xi1> -> vector<16xi32>
                  %reduce_max3A_137 = arith.constant true
                  %reduce_max3A_138 = vector.broadcast %reduce_max3A_137 : i1 to vector<16xi1>
                  %reduce_max3A_139 = arith.constant -2147483648 : i32
                  %reduce_max3A_140 = vector.broadcast %reduce_max3A_139 : i32 to vector<16xi32>
                  %reduce_max3A_141 = arith.xori %all_reduce_population_count3A_136, %reduce_max3A_140 : vector<16xi32>
                  %reduce_max3A_142 = tpu.scan <max>, %reduce_max3A_141 masked %reduce_max3A_138 : vector<16xi32>, vector<16xi1> -> vector<16xi32>
                  %reduce_max3A_143 = arith.xori %reduce_max3A_142, %reduce_max3A_140 : vector<16xi32>
                  %reduce_max3A_144 = vector.extract %reduce_max3A_143[15] : i32 from vector<16xi32>
                  %ne3A_145 = arith.constant 0 : i32
                  %ne3A_146 = arith.cmpi ne, %reduce_max3A_144, %ne3A_145 : i32
                  %convert_element_type3A_147 = arith.extui %ne3A_146 : i1 to i32
                  %cond3A_148 = arith.constant 0 : i32
                  %cond3A_149 = arith.cmpi ne, %convert_element_type3A_147, %cond3A_148 : i32
                  scf.if %cond3A_149 {
                    tpu.vector_store_idx %arg9[%select_n3A], %add3A_43 masked %and3A_135 : memref<31256xi32, #tpu.memory_space<vmem>>[vector<16xi32>], vector<16xi32>, vector<16xi1>
                    %gather3A_150 = tpu.vector_load_idx %arg9[%select_n3A] masked %and3A_135 : memref<31256xi32, #tpu.memory_space<vmem>>[vector<16xi32>], vector<16xi32>, vector<16xi1>
                    %gt3A_151 = arith.cmpi sgt, %add3A_43, %gather3A_150 : vector<16xi32>
                    %and3A_152 = arith.andi %and3A_135, %gt3A_151 : vector<16xi1>
                    %all_reduce_population_count3A_153 = tpu.all_reduce %and3A_152 {dim = 0 : i64, kind = #tpu.reduction_kind<sum>} : vector<16xi1> -> vector<16xi32>
                    %reduce_max3A_154 = arith.constant true
                    %reduce_max3A_155 = vector.broadcast %reduce_max3A_154 : i1 to vector<16xi1>
                    %reduce_max3A_156 = arith.constant -2147483648 : i32
                    %reduce_max3A_157 = vector.broadcast %reduce_max3A_156 : i32 to vector<16xi32>
                    %reduce_max3A_158 = arith.xori %all_reduce_population_count3A_153, %reduce_max3A_157 : vector<16xi32>
                    %reduce_max3A_159 = tpu.scan <max>, %reduce_max3A_158 masked %reduce_max3A_155 : vector<16xi32>, vector<16xi1> -> vector<16xi32>
                    %reduce_max3A_160 = arith.xori %reduce_max3A_159, %reduce_max3A_157 : vector<16xi32>
                    %reduce_max3A_161 = vector.extract %reduce_max3A_160[15] : i32 from vector<16xi32>
                    %ne3A_162 = arith.constant 0 : i32
                    %ne3A_163 = arith.cmpi ne, %reduce_max3A_161, %ne3A_162 : i32
                    %convert_element_type3A_164 = arith.extui %ne3A_163 : i1 to i32
                    %cond3A_165 = arith.constant 0 : i32
                    %cond3A_166 = arith.cmpi ne, %convert_element_type3A_164, %cond3A_165 : i32
                    scf.if %cond3A_166 {
                      tpu.vector_store_idx %arg9[%select_n3A], %add3A_43 masked %and3A_152 : memref<31256xi32, #tpu.memory_space<vmem>>[vector<16xi32>], vector<16xi32>, vector<16xi1>
                      %gather3A_167 = tpu.vector_load_idx %arg9[%select_n3A] masked %and3A_152 : memref<31256xi32, #tpu.memory_space<vmem>>[vector<16xi32>], vector<16xi32>, vector<16xi1>
                      %gt3A_168 = arith.cmpi sgt, %add3A_43, %gather3A_167 : vector<16xi32>
                      %and3A_169 = arith.andi %and3A_152, %gt3A_168 : vector<16xi1>
                      %all_reduce_population_count3A_170 = tpu.all_reduce %and3A_169 {dim = 0 : i64, kind = #tpu.reduction_kind<sum>} : vector<16xi1> -> vector<16xi32>
                      %reduce_max3A_171 = arith.constant true
                      %reduce_max3A_172 = vector.broadcast %reduce_max3A_171 : i1 to vector<16xi1>
                      %reduce_max3A_173 = arith.constant -2147483648 : i32
                      %reduce_max3A_174 = vector.broadcast %reduce_max3A_173 : i32 to vector<16xi32>
                      %reduce_max3A_175 = arith.xori %all_reduce_population_count3A_170, %reduce_max3A_174 : vector<16xi32>
                      %reduce_max3A_176 = tpu.scan <max>, %reduce_max3A_175 masked %reduce_max3A_172 : vector<16xi32>, vector<16xi1> -> vector<16xi32>
                      %reduce_max3A_177 = arith.xori %reduce_max3A_176, %reduce_max3A_174 : vector<16xi32>
                      %reduce_max3A_178 = vector.extract %reduce_max3A_177[15] : i32 from vector<16xi32>
                      %ne3A_179 = arith.constant 0 : i32
                      %ne3A_180 = arith.cmpi ne, %reduce_max3A_178, %ne3A_179 : i32
                      %convert_element_type3A_181 = arith.extui %ne3A_180 : i1 to i32
                      %cond3A_182 = arith.constant 0 : i32
                      %cond3A_183 = arith.cmpi ne, %convert_element_type3A_181, %cond3A_182 : i32
                      scf.if %cond3A_183 {
                        tpu.vector_store_idx %arg9[%select_n3A], %add3A_43 masked %and3A_169 : memref<31256xi32, #tpu.memory_space<vmem>>[vector<16xi32>], vector<16xi32>, vector<16xi1>
                        %gather3A_184 = tpu.vector_load_idx %arg9[%select_n3A] masked %and3A_169 : memref<31256xi32, #tpu.memory_space<vmem>>[vector<16xi32>], vector<16xi32>, vector<16xi1>
                        %gt3A_185 = arith.cmpi sgt, %add3A_43, %gather3A_184 : vector<16xi32>
                        %and3A_186 = arith.andi %and3A_169, %gt3A_185 : vector<16xi1>
                        %all_reduce_population_count3A_187 = tpu.all_reduce %and3A_186 {dim = 0 : i64, kind = #tpu.reduction_kind<sum>} : vector<16xi1> -> vector<16xi32>
                        %reduce_max3A_188 = arith.constant true
                        %reduce_max3A_189 = vector.broadcast %reduce_max3A_188 : i1 to vector<16xi1>
                        %reduce_max3A_190 = arith.constant -2147483648 : i32
                        %reduce_max3A_191 = vector.broadcast %reduce_max3A_190 : i32 to vector<16xi32>
                        %reduce_max3A_192 = arith.xori %all_reduce_population_count3A_187, %reduce_max3A_191 : vector<16xi32>
                        %reduce_max3A_193 = tpu.scan <max>, %reduce_max3A_192 masked %reduce_max3A_189 : vector<16xi32>, vector<16xi1> -> vector<16xi32>
                        %reduce_max3A_194 = arith.xori %reduce_max3A_193, %reduce_max3A_191 : vector<16xi32>
                        %reduce_max3A_195 = vector.extract %reduce_max3A_194[15] : i32 from vector<16xi32>
                        %ne3A_196 = arith.constant 0 : i32
                        %ne3A_197 = arith.cmpi ne, %reduce_max3A_195, %ne3A_196 : i32
                        %convert_element_type3A_198 = arith.extui %ne3A_197 : i1 to i32
                        %cond3A_199 = arith.constant 0 : i32
                        %cond3A_200 = arith.cmpi ne, %convert_element_type3A_198, %cond3A_199 : i32
                        scf.if %cond3A_200 {
                          tpu.vector_store_idx %arg9[%select_n3A], %add3A_43 masked %and3A_186 : memref<31256xi32, #tpu.memory_space<vmem>>[vector<16xi32>], vector<16xi32>, vector<16xi1>
                          %gather3A_201 = tpu.vector_load_idx %arg9[%select_n3A] masked %and3A_186 : memref<31256xi32, #tpu.memory_space<vmem>>[vector<16xi32>], vector<16xi32>, vector<16xi1>
                          %gt3A_202 = arith.cmpi sgt, %add3A_43, %gather3A_201 : vector<16xi32>
                          %and3A_203 = arith.andi %and3A_186, %gt3A_202 : vector<16xi1>
                          %all_reduce_population_count3A_204 = tpu.all_reduce %and3A_203 {dim = 0 : i64, kind = #tpu.reduction_kind<sum>} : vector<16xi1> -> vector<16xi32>
                          %reduce_max3A_205 = arith.constant true
                          %reduce_max3A_206 = vector.broadcast %reduce_max3A_205 : i1 to vector<16xi1>
                          %reduce_max3A_207 = arith.constant -2147483648 : i32
                          %reduce_max3A_208 = vector.broadcast %reduce_max3A_207 : i32 to vector<16xi32>
                          %reduce_max3A_209 = arith.xori %all_reduce_population_count3A_204, %reduce_max3A_208 : vector<16xi32>
                          %reduce_max3A_210 = tpu.scan <max>, %reduce_max3A_209 masked %reduce_max3A_206 : vector<16xi32>, vector<16xi1> -> vector<16xi32>
                          %reduce_max3A_211 = arith.xori %reduce_max3A_210, %reduce_max3A_208 : vector<16xi32>
                          %reduce_max3A_212 = vector.extract %reduce_max3A_211[15] : i32 from vector<16xi32>
                          %ne3A_213 = arith.constant 0 : i32
                          %ne3A_214 = arith.cmpi ne, %reduce_max3A_212, %ne3A_213 : i32
                          %convert_element_type3A_215 = arith.extui %ne3A_214 : i1 to i32
                          %cond3A_216 = arith.constant 0 : i32
                          %cond3A_217 = arith.cmpi ne, %convert_element_type3A_215, %cond3A_216 : i32
                          scf.if %cond3A_217 {
                            tpu.vector_store_idx %arg9[%select_n3A], %add3A_43 masked %and3A_203 : memref<31256xi32, #tpu.memory_space<vmem>>[vector<16xi32>], vector<16xi32>, vector<16xi1>
                            %gather3A_218 = tpu.vector_load_idx %arg9[%select_n3A] masked %and3A_203 : memref<31256xi32, #tpu.memory_space<vmem>>[vector<16xi32>], vector<16xi32>, vector<16xi1>
                            %gt3A_219 = arith.cmpi sgt, %add3A_43, %gather3A_218 : vector<16xi32>
                            %and3A_220 = arith.andi %and3A_203, %gt3A_219 : vector<16xi1>
                            %all_reduce_population_count3A_221 = tpu.all_reduce %and3A_220 {dim = 0 : i64, kind = #tpu.reduction_kind<sum>} : vector<16xi1> -> vector<16xi32>
                            %reduce_max3A_222 = arith.constant true
                            %reduce_max3A_223 = vector.broadcast %reduce_max3A_222 : i1 to vector<16xi1>
                            %reduce_max3A_224 = arith.constant -2147483648 : i32
                            %reduce_max3A_225 = vector.broadcast %reduce_max3A_224 : i32 to vector<16xi32>
                            %reduce_max3A_226 = arith.xori %all_reduce_population_count3A_221, %reduce_max3A_225 : vector<16xi32>
                            %reduce_max3A_227 = tpu.scan <max>, %reduce_max3A_226 masked %reduce_max3A_223 : vector<16xi32>, vector<16xi1> -> vector<16xi32>
                            %reduce_max3A_228 = arith.xori %reduce_max3A_227, %reduce_max3A_225 : vector<16xi32>
                            %reduce_max3A_229 = vector.extract %reduce_max3A_228[15] : i32 from vector<16xi32>
                            %ne3A_230 = arith.constant 0 : i32
                            %ne3A_231 = arith.cmpi ne, %reduce_max3A_229, %ne3A_230 : i32
                            %convert_element_type3A_232 = arith.extui %ne3A_231 : i1 to i32
                            %cond3A_233 = arith.constant 0 : i32
                            %cond3A_234 = arith.cmpi ne, %convert_element_type3A_232, %cond3A_233 : i32
                            scf.if %cond3A_234 {
                              tpu.vector_store_idx %arg9[%select_n3A], %add3A_43 masked %and3A_220 : memref<31256xi32, #tpu.memory_space<vmem>>[vector<16xi32>], vector<16xi32>, vector<16xi1>
                              %gather3A_235 = tpu.vector_load_idx %arg9[%select_n3A] masked %and3A_220 : memref<31256xi32, #tpu.memory_space<vmem>>[vector<16xi32>], vector<16xi32>, vector<16xi1>
                              %gt3A_236 = arith.cmpi sgt, %add3A_43, %gather3A_235 : vector<16xi32>
                              %and3A_237 = arith.andi %and3A_220, %gt3A_236 : vector<16xi1>
                              %all_reduce_population_count3A_238 = tpu.all_reduce %and3A_237 {dim = 0 : i64, kind = #tpu.reduction_kind<sum>} : vector<16xi1> -> vector<16xi32>
                              %reduce_max3A_239 = arith.constant true
                              %reduce_max3A_240 = vector.broadcast %reduce_max3A_239 : i1 to vector<16xi1>
                              %reduce_max3A_241 = arith.constant -2147483648 : i32
                              %reduce_max3A_242 = vector.broadcast %reduce_max3A_241 : i32 to vector<16xi32>
                              %reduce_max3A_243 = arith.xori %all_reduce_population_count3A_238, %reduce_max3A_242 : vector<16xi32>
                              %reduce_max3A_244 = tpu.scan <max>, %reduce_max3A_243 masked %reduce_max3A_240 : vector<16xi32>, vector<16xi1> -> vector<16xi32>
                              %reduce_max3A_245 = arith.xori %reduce_max3A_244, %reduce_max3A_242 : vector<16xi32>
                              %reduce_max3A_246 = vector.extract %reduce_max3A_245[15] : i32 from vector<16xi32>
                              %ne3A_247 = arith.constant 0 : i32
                              %ne3A_248 = arith.cmpi ne, %reduce_max3A_246, %ne3A_247 : i32
                              %convert_element_type3A_249 = arith.extui %ne3A_248 : i1 to i32
                              %cond3A_250 = arith.constant 0 : i32
                              %cond3A_251 = arith.cmpi ne, %convert_element_type3A_249, %cond3A_250 : i32
                              scf.if %cond3A_251 {
                                tpu.vector_store_idx %arg9[%select_n3A], %add3A_43 masked %and3A_237 : memref<31256xi32, #tpu.memory_space<vmem>>[vector<16xi32>], vector<16xi32>, vector<16xi1>
                                %gather3A_252 = tpu.vector_load_idx %arg9[%select_n3A] masked %and3A_237 : memref<31256xi32, #tpu.memory_space<vmem>>[vector<16xi32>], vector<16xi32>, vector<16xi1>
                                %gt3A_253 = arith.cmpi sgt, %add3A_43, %gather3A_252 : vector<16xi32>
                                %and3A_254 = arith.andi %and3A_237, %gt3A_253 : vector<16xi1>
                                %all_reduce_population_count3A_255 = tpu.all_reduce %and3A_254 {dim = 0 : i64, kind = #tpu.reduction_kind<sum>} : vector<16xi1> -> vector<16xi32>
                                %reduce_max3A_256 = arith.constant true
                                %reduce_max3A_257 = vector.broadcast %reduce_max3A_256 : i1 to vector<16xi1>
                                %reduce_max3A_258 = arith.constant -2147483648 : i32
                                %reduce_max3A_259 = vector.broadcast %reduce_max3A_258 : i32 to vector<16xi32>
                                %reduce_max3A_260 = arith.xori %all_reduce_population_count3A_255, %reduce_max3A_259 : vector<16xi32>
                                %reduce_max3A_261 = tpu.scan <max>, %reduce_max3A_260 masked %reduce_max3A_257 : vector<16xi32>, vector<16xi1> -> vector<16xi32>
                                %reduce_max3A_262 = arith.xori %reduce_max3A_261, %reduce_max3A_259 : vector<16xi32>
                                %reduce_max3A_263 = vector.extract %reduce_max3A_262[15] : i32 from vector<16xi32>
                                %ne3A_264 = arith.constant 0 : i32
                                %ne3A_265 = arith.cmpi ne, %reduce_max3A_263, %ne3A_264 : i32
                                %convert_element_type3A_266 = arith.extui %ne3A_265 : i1 to i32
                                %cond3A_267 = arith.constant 0 : i32
                                %cond3A_268 = arith.cmpi ne, %convert_element_type3A_266, %cond3A_267 : i32
                                scf.if %cond3A_268 {
                                  tpu.vector_store_idx %arg9[%select_n3A], %add3A_43 masked %and3A_254 : memref<31256xi32, #tpu.memory_space<vmem>>[vector<16xi32>], vector<16xi32>, vector<16xi1>
                                  %gather3A_269 = tpu.vector_load_idx %arg9[%select_n3A] masked %and3A_254 : memref<31256xi32, #tpu.memory_space<vmem>>[vector<16xi32>], vector<16xi32>, vector<16xi1>
                                  %gt3A_270 = arith.cmpi sgt, %add3A_43, %gather3A_269 : vector<16xi32>
                                  %and3A_271 = arith.andi %and3A_254, %gt3A_270 : vector<16xi1>
                                  %all_reduce_population_count3A_272 = tpu.all_reduce %and3A_271 {dim = 0 : i64, kind = #tpu.reduction_kind<sum>} : vector<16xi1> -> vector<16xi32>
                                  %reduce_max3A_273 = arith.constant true
                                  %reduce_max3A_274 = vector.broadcast %reduce_max3A_273 : i1 to vector<16xi1>
                                  %reduce_max3A_275 = arith.constant -2147483648 : i32
                                  %reduce_max3A_276 = vector.broadcast %reduce_max3A_275 : i32 to vector<16xi32>
                                  %reduce_max3A_277 = arith.xori %all_reduce_population_count3A_272, %reduce_max3A_276 : vector<16xi32>
                                  %reduce_max3A_278 = tpu.scan <max>, %reduce_max3A_277 masked %reduce_max3A_274 : vector<16xi32>, vector<16xi1> -> vector<16xi32>
                                  %reduce_max3A_279 = arith.xori %reduce_max3A_278, %reduce_max3A_276 : vector<16xi32>
                                  %reduce_max3A_280 = vector.extract %reduce_max3A_279[15] : i32 from vector<16xi32>
                                  %ne3A_281 = arith.constant 0 : i32
                                  %ne3A_282 = arith.cmpi ne, %reduce_max3A_280, %ne3A_281 : i32
                                  %convert_element_type3A_283 = arith.extui %ne3A_282 : i1 to i32
                                  %cond3A_284 = arith.constant 0 : i32
                                  %cond3A_285 = arith.cmpi ne, %convert_element_type3A_283, %cond3A_284 : i32
                                  scf.if %cond3A_285 {
                                    tpu.vector_store_idx %arg9[%select_n3A], %add3A_43 masked %and3A_271 : memref<31256xi32, #tpu.memory_space<vmem>>[vector<16xi32>], vector<16xi32>, vector<16xi1>
                                    %gather3A_286 = tpu.vector_load_idx %arg9[%select_n3A] masked %and3A_271 : memref<31256xi32, #tpu.memory_space<vmem>>[vector<16xi32>], vector<16xi32>, vector<16xi1>
                                    %gt3A_287 = arith.cmpi sgt, %add3A_43, %gather3A_286 : vector<16xi32>
                                    %and3A_288 = arith.andi %and3A_271, %gt3A_287 : vector<16xi1>
                                    %all_reduce_population_count3A_289 = tpu.all_reduce %and3A_288 {dim = 0 : i64, kind = #tpu.reduction_kind<sum>} : vector<16xi1> -> vector<16xi32>
                                    %reduce_max3A_290 = arith.constant true
                                    %reduce_max3A_291 = vector.broadcast %reduce_max3A_290 : i1 to vector<16xi1>
                                    %reduce_max3A_292 = arith.constant -2147483648 : i32
                                    %reduce_max3A_293 = vector.broadcast %reduce_max3A_292 : i32 to vector<16xi32>
                                    %reduce_max3A_294 = arith.xori %all_reduce_population_count3A_289, %reduce_max3A_293 : vector<16xi32>
                                    %reduce_max3A_295 = tpu.scan <max>, %reduce_max3A_294 masked %reduce_max3A_291 : vector<16xi32>, vector<16xi1> -> vector<16xi32>
                                    %reduce_max3A_296 = arith.xori %reduce_max3A_295, %reduce_max3A_293 : vector<16xi32>
                                    %reduce_max3A_297 = vector.extract %reduce_max3A_296[15] : i32 from vector<16xi32>
                                    %ne3A_298 = arith.constant 0 : i32
                                    %ne3A_299 = arith.cmpi ne, %reduce_max3A_297, %ne3A_298 : i32
                                    %convert_element_type3A_300 = arith.extui %ne3A_299 : i1 to i32
                                    %cond3A_301 = arith.constant 0 : i32
                                    %cond3A_302 = arith.cmpi ne, %convert_element_type3A_300, %cond3A_301 : i32
                                    scf.if %cond3A_302 {
                                      tpu.vector_store_idx %arg9[%select_n3A], %add3A_43 masked %and3A_288 : memref<31256xi32, #tpu.memory_space<vmem>>[vector<16xi32>], vector<16xi32>, vector<16xi1>
                                      %gather3A_303 = tpu.vector_load_idx %arg9[%select_n3A] masked %and3A_288 : memref<31256xi32, #tpu.memory_space<vmem>>[vector<16xi32>], vector<16xi32>, vector<16xi1>
                                      %gt3A_304 = arith.cmpi sgt, %add3A_43, %gather3A_303 : vector<16xi32>
                                      %and3A_305 = arith.andi %and3A_288, %gt3A_304 : vector<16xi1>
                                    } else {
                                    }
                                  } else {
                                  }
                                } else {
                                }
                              } else {
                              }
                            } else {
                            }
                          } else {
                          }
                        } else {
                        }
                      } else {
                      }
                    } else {
                    }
                  } else {
                  }
                } else {
                }
              } else {
              }
            } else {
            }
          } else {
          }
        } else {
        }
      }
      %scan3A_27 = arith.constant 1024 : i32
      %scan3A_28 = arith.constant 0 : i32
      %scan3A_29 = arith.constant 1024 : i32
      %scan3A_30 = arith.addi %scan3A_28, %scan3A_29 : i32
      %scan3A_31 = arith.constant 1 : i32
      %scan3A_32 = scf.for %scan3A_36 = %scan3A_28 to %scan3A_30 step %scan3A_31 iter_args(%scan3A_37 = %broadcast_in_dim3A_5) -> (vector<16xf32>)  : i32 {
        %mul3A_38 = arith.constant 16 : i32
        %mul3A_39 = arith.muli %scan3A_36, %mul3A_38 : i32
        %get3A = arith.index_cast %mul3A_39 : i32 to index
        %get3A_40 = tpu.vector_load %arg6[%get3A] {strides = array<i32>} : memref<16384xi32, #tpu.memory_space<vmem>>, vector<16xi32>,
        %mul3A_41 = arith.constant 16 : i32
        %mul3A_42 = arith.muli %scan3A_36, %mul3A_41 : i32
        %get3A_43 = arith.index_cast %mul3A_42 : i32 to index
        %get3A_44 = tpu.vector_load %arg7[%get3A_43] {strides = array<i32>} : memref<16384xf32, #tpu.memory_space<vmem>>, vector<16xf32>,
        %mul3A_45 = arith.constant 16 : i32
        %mul3A_46 = arith.muli %scan3A_36, %mul3A_45 : i32
        %add3A_47 = vector.broadcast %mul3A_46 : i32 to vector<16xi32>
        %add3A_48 = arith.addi %add3A_47, %iota3A : vector<16xi32>
        %sub3A_49 = vector.broadcast %mul3A_2 : i32 to vector<16xi32>
        %sub3A_50 = arith.subi %get3A_40, %sub3A_49 : vector<16xi32>
        %ge3A = arith.constant 0 : i32
        %ge3A_51 = vector.broadcast %ge3A : i32 to vector<16xi32>
        %ge3A_52 = arith.cmpi sge, %sub3A_50, %ge3A_51 : vector<16xi32>
        %lt3A = arith.constant 31256 : i32
        %lt3A_53 = vector.broadcast %lt3A : i32 to vector<16xi32>
        %lt3A_54 = arith.cmpi slt, %sub3A_50, %lt3A_53 : vector<16xi32>
        %and3A = arith.andi %ge3A_52, %lt3A_54 : vector<16xi1>
        %jit3A = arith.constant 0 : i32
        %broadcast_in_dim3A_55 = vector.broadcast %jit3A : i32 to vector<16xi32>
        %select_n3A = arith.select %and3A, %sub3A_50, %broadcast_in_dim3A_55 : vector<16xi1>, vector<16xi32>
        %gather3A = tpu.vector_load_idx %arg9[%select_n3A] masked %and3A : memref<31256xi32, #tpu.memory_space<vmem>>[vector<16xi32>], vector<16xi32>, vector<16xi1>
        %eq3A = arith.cmpi eq, %gather3A, %add3A_48 : vector<16xi32>
        %and3A_56 = arith.andi %and3A, %eq3A : vector<16xi1>
        %add3A_57 = vector.broadcast %sub3A : i32 to vector<16xi32>
        %add3A_58 = arith.addi %select_n3A, %add3A_57 : vector<16xi32>
        %gather3A_59 = tpu.vector_load_idx %arg8[%add3A_58] masked %and3A_56 : memref<31256xf32, #tpu.memory_space<vmem>>[vector<16xi32>], vector<16xf32>, vector<16xi1>
        %mul3A_60 = arith.mulf %gather3A_59, %get3A_44 : vector<16xf32>
        %select_n3A_61 = arith.select %and3A_56, %mul3A_60, %broadcast_in_dim3A_5 : vector<16xi1>, vector<16xf32>
        %add3A_62 = arith.addf %scan3A_37, %select_n3A_61 : vector<16xf32>
        scf.yield %add3A_62 : vector<16xf32>
      }
      %scan3A_33 = arith.constant 1024 : i32
      %swap3A_34 = arith.constant 0 : index
      %swap3A_35 = tpu.vector_load %arg10[%swap3A_34] {strides = array<i32>} : memref<16xf32, #tpu.memory_space<vmem>>, vector<16xf32>,
      tpu.vector_store %arg10[%swap3A_34], %scan3A_32 {strides = array<i32>} : memref<16xf32, #tpu.memory_space<vmem>>, vector<16xf32>,
    } else {
    }
    "tpu.region"() ({
      %run_scoped3A = tpu.sem_alloc : memref<!tpu.dma_semaphore, #tpu.memory_space<semaphore_mem>>
      %dma_start3A_23 = arith.constant 0 : i32
      %dma_start3A_24 = tpu.memref_slice %arg5[%add3A, %dma_start3A_23] : memref<32x16xf32, #tpu.memory_space<hbm>> -> memref<1x16xf32, #tpu.memory_space<hbm>>
      %dma_start3A_25 = tpu.memref_squeeze %dma_start3A_24 : memref<1x16xf32, #tpu.memory_space<hbm>> -> memref<16xf32, #tpu.memory_space<hbm>>
      %dma_start3A_26 = arith.constant 0 : i32
      %dma_start3A_27 = tpu.memref_slice %arg5[%add3A, %dma_start3A_26] : memref<32x16xf32, #tpu.memory_space<hbm>> -> memref<1x16xf32, #tpu.memory_space<hbm>>
      %dma_start3A_28 = tpu.memref_squeeze %dma_start3A_27 : memref<1x16xf32, #tpu.memory_space<hbm>> -> memref<16xf32, #tpu.memory_space<hbm>>
      tpu.enqueue_dma source(%arg10 : memref<16xf32, #tpu.memory_space<vmem>>) target(%dma_start3A_28 : memref<16xf32, #tpu.memory_space<hbm>>) target_semaphore(%run_scoped3A : memref<!tpu.dma_semaphore, #tpu.memory_space<semaphore_mem>>)
      %dma_wait3A_29 = arith.constant 0 : i32
      %dma_wait3A_30 = tpu.memref_slice %arg5[%add3A, %dma_wait3A_29] : memref<32x16xf32, #tpu.memory_space<hbm>> -> memref<1x16xf32, #tpu.memory_space<hbm>>
      %dma_wait3A_31 = tpu.memref_squeeze %dma_wait3A_30 : memref<1x16xf32, #tpu.memory_space<hbm>> -> memref<16xf32, #tpu.memory_space<hbm>>
      %dma_wait3A_32 = arith.constant 0 : i32
      %dma_wait3A_33 = tpu.memref_slice %arg5[%add3A, %dma_wait3A_32] : memref<32x16xf32, #tpu.memory_space<hbm>> -> memref<1x16xf32, #tpu.memory_space<hbm>>
      %dma_wait3A_34 = tpu.memref_squeeze %dma_wait3A_33 : memref<1x16xf32, #tpu.memory_space<hbm>> -> memref<16xf32, #tpu.memory_space<hbm>>
      tpu.wait_dma2 semaphore(%run_scoped3A : memref<!tpu.dma_semaphore, #tpu.memory_space<semaphore_mem>>) src(%arg10 : memref<16xf32, #tpu.memory_space<vmem>>) dst(%dma_wait3A_34 : memref<16xf32, #tpu.memory_space<hbm>>)
      tpu.yield
    }) : () -> ()
    return
  }
}

module attributes {stable_mosaic.version = 14 : i64} {
  func.func @_tc_finish(%arg0: memref<32x16xf32, #tpu.memory_space<vmem>>, %arg1: memref<1x1xf32, #tpu.memory_space<vmem>>, %arg2: memref<1x1xf32, #tpu.memory_space<vmem>>) attributes {dimension_semantics = [], scalar_prefetch = 0 : i64, scratch_operands = 0 : i64, tpu.core_type = #tpu.core_type<tc>} {
    %get3A = arith.constant 0 : index
    %get3A_0 = arith.constant 0 : index
    %get3A_1 = vector.load %arg0[%get3A, %get3A_0] : memref<32x16xf32, #tpu.memory_space<vmem>>, vector<32x16xf32>
    %reduce_sum3A = vector.shape_cast %get3A_1 : vector<32x16xf32> to vector<1x32x16xf32>
    %reduce_sum3A_2 = arith.constant dense<0.000000e+00> : vector<1xf32>
    %reduce_sum3A_3 = vector.multi_reduction <add>, %reduce_sum3A, %reduce_sum3A_2 [1, 2] : vector<1x32x16xf32> to vector<1xf32>
    %reduce_sum3A_4 = vector.shape_cast %reduce_sum3A_3 : vector<1xf32> to vector<1x1x1xf32>
    %reduce_sum3A_5 = vector.extract %reduce_sum3A_4[0, 0, 0] : f32 from vector<1x1x1xf32>
    %get3A_6 = arith.constant 0 : index
    %get3A_7 = arith.constant 0 : index
    %get3A_8 = vector.load %arg1[%get3A_6, %get3A_7] : memref<1x1xf32, #tpu.memory_space<vmem>>, vector<1x1xf32>
    %get3A_9 = vector.extract %get3A_8[0, 0] : f32 from vector<1x1xf32>
    %add3A = arith.addf %reduce_sum3A_5, %get3A_9 : f32
    %broadcast_in_dim3A = vector.broadcast %add3A : f32 to vector<1x1xf32>
    %swap3A = arith.constant 0 : index
    %swap3A_10 = arith.constant 0 : index
    %swap3A_11 = vector.load %arg2[%swap3A, %swap3A_10] : memref<1x1xf32, #tpu.memory_space<vmem>>, vector<1x1xf32>
    tpu.vector_store %arg2[%swap3A, %swap3A_10], %broadcast_in_dim3A {strides = array<i32>} : memref<1x1xf32, #tpu.memory_space<vmem>>, vector<1x1xf32>,
    return
  }
}

</mosaic_0001>

<sc_bundles>
// kernel: kernel.4.cloned.1.call-start
scs
__scs_entry_jumppad:
0x0: {  	(pc) =	sbr.rel $0x88, $3  }
0x1: {  	(tag) =	ssettag $0x0;
	lr =	simm.s32 $0x1  }
0x2: {  	[smem:$0x3F9D] =	sst lr;
	_ =	strace $0xD0000000  }
0x3: {  	_ = 	snop  }
0x4: {  	_ = 	snop  }
0x5: {  	_ = 	snop  }
0x6: {  	_ = 	snop  }
0x7: {  	_ = 	snop  }
__scs_overlays_trampoline_lowered:
0x8: {  	[smem:$0x3FAC] =	sst s0  }
0x9: {  	[smem:$0x3FAD] =	sst s1  }
0xa: {  	[smem:$0x3FAE] =	sst s2  }
0xb: {  	[smem:$0x3FAF] =	sst s3  }
0xc: {  	[smem:$0x3FB0] =	sst s4  }
0xd: {  	[smem:$0x3FB1] =	sst s5  }
0xe: {  	[smem:$0x3FB2] =	sst s6  }
0xf: {  	[smem:$0x3FB3] =	sst s7  }
0x10: {  	[smem:$0x3FB4] =	sst s8  }
0x11: {  	[smem:$0x3FB5] =	sst s9;
	s0 =	simm.s32 @!p0 $0x0  }
0x12: {  	s1 =	sld [smem:$0x3F9B];
	s0 =	simm.s32 @p0 $0x1  }
0x13: {  	[smem:$0x3FB6] =	sst s0;
	s0 =	simm.s32 @!p1 $0x0  }
0x14: {  	s2 =	sld [smem:$0x3F9A];
	s0 =	simm.s32 @p1 $0x1  }
0x15: {  	[smem:$0x3FB7] =	sst s0;
	s0 =	simm.s32 @!p2 $0x0  }
0x16: {  	s3 =	sld [smem:$0x3FDB];
	s0 =	simm.s32 @p2 $0x1  }
0x17: {  	s4 =	simm.s32 $0x1BF5;
	[smem:$0x3FB9] =	sst s0  }
0x18: {  	s0 =	sld [smem:$0x3F9C];
	_ =	swait.ge [sflag:s4], $0x0  }
0x19: {  	s7 =	sld [smem:$0x3F9D]  }
0x1a: {  	s8 =	sadd.s32 $0xFFFFE003, lr  }
0x1b: {  	s9 =	sadd.s32 $0xFFFFFEF7, lr;
	s5 =	simm.s32 $0xFFFFFFFF;
	p2 =	slt.u32 s8, $0xFFFFF086  }
0x1c: {  	p1 =	slt.u32 s9, $0xF7A;
	s5 =	simm.s32 @!p2 $0x0  }
0x1d: {  	s5 =	simm.s32 @p1 $0x1;
	p0 =	seq.s32 s7, s2  }
0x1e: {  	s7 =	smul.u32 @!p0 $0xF7A, s2;
	p2 =	seq.s32 @!p0 s5, $0x0  }
0x1f: {  	s9 =	smul.u32 $0xF7A, s1;
	s8 =	simm.s32 @!p0 $0x1BF5;
	p2 =	por !p2, p0  }
0x20: {  	[sflag:s8] =	ssyncset.s32 @!p0 $0xFFFFF086;
	s6 =	sadd.s32 @!p0 s3, s7;
	s7 =	simm.s32 @!p0 $0x108  }
0x21: {  	s3 =	sadd.s32 s3, s9;
	s6 =	sadd.s32 @!p0 $0x88, s6;
	s7 =	simm.s32 @p2 $0x1082  }
0x22: {  	[simem:s7], [sflag:s8] =	dma.local @!p0 [hbm:s6], $0xF7A  }
0x23: {  	s9 =	sor.u32 $0xD0000000, s2;
	s6 =	simm.s32 $0x108;
	_ =	swait.ge @!p0 [sflag:s8], $0x0  }
0x24: {  	s3 =	sadd.s32 $0x88, s3;
	s6 =	simm.s32 @!p1 $0x1082;
	[sflag:s4] =	ssyncset.s32 $0xFFFFF086  }
0x25: {  	[simem:s6], [sflag:s4] =	dma.local [hbm:s3], $0xF7A  }
0x26: {  	[smem:$0x3F9D] =	sst s1;
	(tag) =	ssettag s2;
	_ =	strace s9  }
0x27: {  	s1 =	sld [smem:$0x3FAD]  }
0x28: {  	s2 =	sld [smem:$0x3FAE]  }
0x29: {  	s4 =	sld [smem:$0x3FB0]  }
0x2a: {  	p0 =	seq.s32 s5, $0x0;
	s5 =	sld [smem:$0x3FB1]  }
0x2b: {  	s6 =	sld [smem:$0x3FB2]  }
0x2c: {  	s7 =	sld [smem:$0x3FB3]  }
0x2d: {  	s3 =	simm.s32 $0x108;
	s8 =	sld [smem:$0x3FB4]  }
0x2e: {  	s3 =	simm.s32 @!p0 $0x1082;
	s9 =	sld [smem:$0x3FB5]  }
0x2f: {  	lr =	sadd.s32 s0, s3;
	s0 =	sld [smem:$0x3FAC]  }
0x30: {  	s3 =	sld [smem:$0x3FAF]  }
0x31: {  	[smem:$0x3FB8] =	sst s10  }
0x32: {  	s10 =	sld [smem:$0x3FB6];
	_ =	sdelay $0x3  }
0x33: {  	p0 =	seq.s32 s10, $0x1;
	s10 =	sld [smem:$0x3FB8];
	_ =	sdelay $0x3  }
0x34: {  	[smem:$0x3FB8] =	sst s10  }
0x35: {  	s10 =	sld [smem:$0x3FB7];
	_ =	sdelay $0x3  }
0x36: {  	p1 =	seq.s32 s10, $0x1;
	s10 =	sld [smem:$0x3FB8];
	_ =	sdelay $0x3  }
0x37: {  	[smem:$0x3FB8] =	sst s10  }
0x38: {  	s10 =	sld [smem:$0x3FB9]  }
0x39: {  	_ = 	snop;
	(pc) =	sbr.ind lr, $3  }
0x3a: {  	_ = 	snop  }
0x3b: {  	_ = 	snop  }
0x3c: {  	p2 =	seq.s32 s10, $0x1;
	s10 =	sld [smem:$0x3FB8]  }
0x3d: {  	_ =	shalt  }
0x3e: {  	_ =	shalt  }
0x3f: {  	_ =	shalt  }
0x40: {  	_ =	shalt  }
0x41: {  	_ =	shalt  }
0x42: {  	_ =	shalt  }
0x43: {  	_ =	shalt  }
0x44: {  	_ =	shalt  }
0x45: {  	_ =	shalt  }
0x46: {  	_ =	shalt  }
0x47: {  	_ =	shalt  }
0x48: {  	_ =	shalt  }
0x49: {  	_ =	shalt  }
0x4a: {  	_ =	shalt  }
0x4b: {  	_ =	shalt  }
0x4c: {  	_ =	shalt  }
0x4d: {  	_ =	shalt  }
0x4e: {  	_ =	shalt  }
0x4f: {  	_ =	shalt  }
0x50: {  	_ =	shalt  }
0x51: {  	_ =	shalt  }
0x52: {  	_ =	shalt  }
0x53: {  	_ =	shalt  }
0x54: {  	_ =	shalt  }
0x55: {  	_ =	shalt  }
0x56: {  	_ =	shalt  }
0x57: {  	_ =	shalt  }
0x58: {  	_ =	shalt  }
0x59: {  	_ =	shalt  }
0x5a: {  	_ =	shalt  }
0x5b: {  	_ =	shalt  }
0x5c: {  	_ =	shalt  }
0x5d: {  	_ =	shalt  }
0x5e: {  	_ =	shalt  }
0x5f: {  	_ =	shalt  }
0x60: {  	_ =	shalt  }
0x61: {  	_ =	shalt  }
0x62: {  	_ =	shalt  }
0x63: {  	_ =	shalt  }
0x64: {  	_ =	shalt  }
0x65: {  	_ =	shalt  }
0x66: {  	_ =	shalt  }
0x67: {  	_ =	shalt  }
0x68: {  	_ =	shalt  }
0x69: {  	_ =	shalt  }
0x6a: {  	_ =	shalt  }
0x6b: {  	_ =	shalt  }
0x6c: {  	_ =	shalt  }
0x6d: {  	_ =	shalt  }
0x6e: {  	_ =	shalt  }
0x6f: {  	_ =	shalt  }
0x70: {  	_ =	shalt  }
0x71: {  	_ =	shalt  }
0x72: {  	_ =	shalt  }
0x73: {  	_ =	shalt  }
0x74: {  	_ =	shalt  }
0x75: {  	_ =	shalt  }
0x76: {  	_ =	shalt  }
0x77: {  	_ =	shalt  }
0x78: {  	_ =	shalt  }
0x79: {  	_ =	shalt  }
0x7a: {  	_ =	shalt  }
0x7b: {  	_ =	shalt  }
0x7c: {  	_ =	shalt  }
0x7d: {  	_ =	shalt  }
0x7e: {  	_ =	shalt  }
0x7f: {  	_ =	shalt  }
0x80: {  	_ =	shalt  }
0x81: {  	_ =	shalt  }
0x82: {  	_ =	shalt  }
0x83: {  	_ =	shalt  }
0x84: {  	_ =	shalt  }
0x85: {  	_ =	shalt  }
0x86: {  	_ =	shalt  }
0x87: {  	_ =	shalt  }
.Lfunc_end0:
.L_simem_size_0:
called_computation_lowered:
.L_overlay_start_0:
0x88: {  	s2 =	sld [smem:$0x3FD9]  }
0x89: {  	s3 =	sld [smem:$0x3FFE];
	_ =	sdelay $0x1  }
0x8a: {  	s1 =	srdreg.scid  }
0x8b: {  	s0 =	sand.u32 $0x1, s1  }
0x8c: {  	s17 =	sshll.u32 s0, $0xA;
	s2 =	sadd.s32 s3, s2  }
0x8d: {  	s2 =	sadd.s32 s2, s17  }
0x8e: {  	[smem:$0x3FC4] =	sst s2  }
0x8f: {  	_ = 	snop  }
0x90: {  	s2 =	sld [smem:$0x3FC9]  }
0x91: {  	s18 =	sld [smem:$0x3FC8]  }
0x92: {  	s4 =	sld [smem:$0x3FC7];
	(tm) =	ssettm $0x1  }
0x93: {  	s5 =	sld [smem:$0x3FFB];
	_ =	sdelay $0x3  }
0x94: {  	_ =	strace s5  }
0x95: {  	s5 =	sld [smem:$0x3FFC];
	_ =	sdelay $0x3  }
0x96: {  	_ =	strace s5  }
0x97: {  	s5 =	sld [smem:$0x3FFD];
	_ =	sdelay $0x3  }
0x98: {  	_ =	strace s5  }
0x99: {  	_ =	strace $0x8FFFFFFF  }
0x9a: {  	s19 =	sld [smem:$0x3FDB];
	_ =	sdelay $0x1  }
0x9b: {  	s6 =	simm.s32 $_scs_section_size  }
0x9c: {  	s7 =	simm.s32 $_size__tile_overlayer_lowered;
	s8 =	simm.s32 $_tile_overlayer_lowered  }
0x9d: {  	s22 =	simm.s32 $0x1BFF;
	s21 =	sshll.u32 s8, $0x1;
	s5 =	sadd.s32 s6, s19  }
0x9e: {  	s9 =	simm.s32 $0x0;
	s20 =	sshll.u32 s7, $0x1;
	s7 =	sadd.s32 s21, s5  }
0x9f: {  	[timem:s9], [sflag:s22] =	dma.local [hbm:s7], s20  }
0xa0: {  	_ =	swait.ge [sflag:s22], s20  }
0xa1: {  	s6 =	ssub.s32 $0x0, s20;
	[sflag:s22] =	ssyncset.done $0x0  }
0xa2: {  	[sflag:s22] =	ssyncadd.s32 s6;
	_ =	sdelay $0x1  }
0xa3: {  	s23 =	simm.s32 $0x1B8B  }
0xa4: {  	_ =	swait.ge [sflag:s23], $0x1  }
0xa5: {  	[sflag:s23] =	ssyncset.done $0x0  }
0xa6: {  	s25 =	simm.s32 $0x1B8E;
	s24 =	sld [smem:$0x3FFE];
	[sflag:s23] =	ssyncadd.s32 $0xFFFFFFFF  }
0xa7: {  	s26 =	simm.s32 $execute0_lowered;
	[smem:$0x3FD2] =	sst s25  }
0xa8: {  	s7 =	sshll.u32 s26, $0x1;
	_ =	strace $0x80000046;
	[dreg:$0x1] =	wrdreg $0xFFFFFFFF  }
0xa9: {  	s28 =	simm.s32 $_size_execute0_lowered;
	s5 =	sadd.s32 s5, s7;
	[dreg:$0x0] =	wrdreg $0x0  }
0xaa: {  	s7 =	sshll.u32 s28, $0x1;
	[dreg:$0x2] =	wrdreg s5  }
0xab: {  	[dreg:$0x3] =	wrdreg s7  }
0xac: {  	[dreg:$0x4] =	wrdreg $0xC0  }
0xad: {  	_ =	task [dreg:s9], $0x5FFFF  }
0xae: {  	[dreg:$0x1] =	wrdreg $0xFFFFFFFF  }
0xaf: {  	[dreg:$0x0] =	wrdreg $0x60  }
0xb0: {  	[dreg:$0x2] =	wrdreg s2  }
0xb1: {  	[dreg:$0x3] =	wrdreg s18  }
0xb2: {  	[dreg:$0x4] =	wrdreg s4  }
0xb3: {  	[dreg:$0x5] =	wrdreg s24  }
0xb4: {  	[dreg:$0x6] =	wrdreg $0x9  }
0xb5: {  	_ =	task.clear_ibuf [dreg:s9], $0x7FFFF;
	_ =	strace $0x90000046  }
0xb6: {  	s29 =	simm.s32 $0x9;
	_ =	strace $0x80000048  }
0xb7: {  	_ =	swait.ge [sflag:s29], $0x1  }
0xb8: {  	[sflag:s29] =	ssyncadd.s32 $0xFFFFFFFF  }
0xb9: {  	_ =	strace $0x90000048  }
0xba: {  	_ =	sfence  }
0xbb: {  	s30 =	sld [smem:$0x0];
	_ =	sdelay $0x2  }
0xbc: {  	s31 =	sshll.u32 s1, $0xD;
	s1 =	sshrl.u32 s1, $0x2  }
0xbd: {  	s3 =	sand.u32 $0x4000, s31;
	s1 =	sadd.s32 s1, s30  }
0xbe: {  	s0 =	sor.u32 s3, s0;
	s1 =	sshll.u32 s1, $0x11  }
0xbf: {  	s0 =	sor.u32 s1, s0  }
0xc0: {  	s0 =	sadd.s32 $0x8F2B, s0  }
0xc1: {  	[sflag:s0] =	ssyncadd.remote.s32 $0x1  }
0xc2: {  	_ =	sfence.sel $0xFFFF  }
0xc3: {  	[dreg:$0x0] =	wrdreg $0xFFFFFFFF;
	(pc) =	sbr.abs _section_cstart, $3  }
0xc4: {  	[dreg:$0x1] =	wrdreg $0xFFFFFFFF  }
0xc5: {  	_ =	task.clear_ibuf [dreg:s9], $0x2FFFF;
	_ =	strace $0x9FFFFFFF  }
0xc6: {  	(tm) =	ssettm $0x7FFFFFFF  }
0xc7: {  	_ =	shalt  }
tec
execute0_lowered:
.L_overlay_start_1:
0x0: {  	(tag) =	ssettag $0x1  }
0x1: {  	s1 =	rddreg [dreg:$0x0]  }
0x2: {  	s2 =	rddreg [dreg:$0x1]  }
0x3: {  	s5 =	rddreg [dreg:$0x2];
	s3 =	srdreg.scid  }
0x4: {  	s0 =	stileid.u32;
	s6 =	rddreg [dreg:$0x3];
	s4 =	simm.s32 $0x0  }
0x5: {  	s12 =	simm.s32 $0x1;
	s14 =	simm.s32 $0x17500;
	s15 =	simm.s32 $0x0  }
0x6: {  	s7 =	sand.u32 $0x1, s3;
	s8 =	sshll.u32 s0, $0x1;
	[smem:$0x7FF] =	sst s4  }
0x7: {  	s3 =	rddreg [dreg:$0x4];
	s8 =	sor.u32 s7, s8;
	_ =	strace $0x80000047  }
0x8: {  	s7 =	ssub.s32 $0x2, s7;
	s10 =	smul.u32 $0x7A18, s8;
	s8 =	sshll.u32 s8, $0x4  }
.Ltmp0:
0x9: {  	s9 =	sshrl.u32 s7, $0x1;
	s6 =	sadd.s32 s8, s6;
	(pc) =	sbr.rel .LBB2_1-.Ltmp0, $4  }
0xa: {  	s7 =	ssub.s32 s7, s9;
	s8 =	simm.s32 $0x4000;
	s9 =	simm.s32 $0x8000  }
0xb: {  	s11 =	smin.u32 s10, $0xEC828;
	s6 =	sadd.s32 $0x600, s6;
	s7 =	smax.u32 s7, $0x1  }
0xc: {  	v0 =	vmov s10;
	s31 =	sshrl.u32 s11, $0x3;
	s13 =	ssub.s32 s10, s11;
	s10 =	simm.s32 $0x3  }
0xd: {  	v2 =	vlaneseq.u32;
	v3 =	vimm.f32 $0.0e+00;
	s11 =	simm.s32 $0xFA80;
	s5 =	sadd.s32 s5, s31;
	v1 =	vmov s13;
	s13 =	simm.s32 $0x2  }
.LBB2_11:
0xe: {  	v10 =	vsub.s32 v10, v0  }
0xf: {  	vm6 =	vlt.u32 v10, $0x7A18  }
0x10: {  	v10 =	vnsel vm6, $0x0, v10;
	_ =	sdelay $0x2  }
0x11: {  	v12 =	vld.idx.msk [tilespmem:v12+s11+$0x0], vm3;
	_ =	sdelay $0x1  }
0x12: {  	v13 =	vor.u32 s16, v2;
	v14 =	vld.idx.msk [tilespmem:v10+s11+$0x0], vm6  }
0x13: {  	vm12 =	veq.s32 v9, v13  }
0x14: {  	v56 =	vor.u32 s17, v2;
	vm3 =	vmand vm5, vm12  }
0x15: {  	v5 =	vadd.s32 v1, v5;
	vm4 =	vmmov vm4;
	vm13 =	veq.s32 v12, v56  }
0x16: {  	v57 =	vor.u32 s18, v2;
	vm4 =	vmand vm4, vm13;
	vm6 =	vmmov vm6  }
0x17: {  	v11 =	vadd.s32 v1, v11;
	v8 =	vld.idx.msk [tilespmem:v8+s9+$0x0], vm2;
	s31 =	sadd.s32 $0x10, s19;
	vm14 =	vmmov vm6;
	vm15 =	veq.s32 v14, v57  }
0x18: {  	v58 =	vld [tilespmem:s31+$0x0];
	s16 =	sadd.s32 $0x10, s31;
	vm9 =	vmand vm14, vm15  }
0x19: {  	v59 =	vld [tilespmem:s16+$0x0];
	v10 =	vadd.s32 v1, v10  }
0x1a: {  	s16 =	sadd.s32 $0x10, s16;
	v5 =	vld.idx.msk [tilespmem:v5+s9+$0x0], vm3  }
0x1b: {  	v6 =	vmul.f32 v6, v7;
	v61 =	vld [tilespmem:s16+$0x0]  }
0x1c: {  	s16 =	sadd.s32 $0x10, s16;
	v60 =	vld.idx.msk [tilespmem:v11+s9+$0x0], vm4  }
0x1d: {  	v6 =	vnsel vm1, $0x0, v6;
	v63 =	vld [tilespmem:s16+$0x0];
	v8 =	vmul.f32 v8, v58  }
0x1e: {  	vm0 =	vmmov vm0;
	v4 =	vadd.f32 v6, v4;
	v62 =	vld.idx.msk [tilespmem:v10+s9+$0x0], vm9  }
0x1f: {  	vm10 =	vmmov vm3;
	v8 =	vnsel vm0, $0x0, v8;
	v5 =	vmul.f32 v5, v59  }
0x20: {  	vm11 =	vmmov vm10;
	v4 =	vadd.f32 v8, v4  }
0x21: {  	vm12 =	vmmov vm4;
	v5 =	vnsel vm11, $0x0, v5;
	v7 =	vmul.f32 v60, v61  }
0x22: {  	vm13 =	vmmov vm12;
	v4 =	vadd.f32 v5, v4  }
0x23: {  	vm14 =	vmmov vm9;
	v5 =	vnsel vm13, $0x0, v7;
	v6 =	vmul.f32 v62, v63  }
0x24: {  	vm15 =	vmmov vm14;
	v4 =	vadd.f32 v5, v4  }
0x25: {  	v5 =	vnsel vm15, $0x0, v6  }
0x26: {  	v4 =	vadd.f32 v5, v4;
	_ =	sdelay $0x1  }
0x27: {  	[tilespmem:$0x17500] =	vst v4  }
.LBB2_12:
0x28: {  	s15 =	sadd.s32 $0x1, s15  }
0x29: {  	p0 =	sne.s32 s15, s7  }
.Ltmp1:
0x2a: {  	_ = 	snop;
	(pc) =	sbr.rel @!p0 .LBB2_13-.Ltmp1, $4  }
0x2b: {  	[hbm4b:s6+s4] =	stream.linear.scatter [tilespmem:s14], [sflag:$0x3], $0x80, $0x38;
	[tilespmem:$0x17580] =	vst v63  }
0x2c: {  	_ =	swait.ge [sflag:s10], $0x80  }
0x2d: {  	[sflag:s10] =	ssyncset.done $0x0  }
0x2e: {  	[sflag:s10] =	ssyncadd.s32 $0xFFFFFF80  }
.LBB2_1:
0x2f: {  	[tilespmem:s8], [sflag:$0x2] =	stream.linear.gather [hbm4b:s1+s4], $0x4000, $0x38;
	[tilespmem:$0x17580] =	vst v63  }
0x30: {  	_ = 	snop  }
0x31: {  	[tilespmem:s9], [sflag:$0x1] =	stream.linear.gather [hbm4b:s5+s4], $0x7A18, $0x38;
	[tilespmem:$0x17580] =	vst v63  }
0x32: {  	_ = 	snop  }
0x33: {  	[tilespmem:s4], [sflag:$0x3] =	stream.linear.gather [hbm4b:s2+s4], $0x4000, $0x38;
	[tilespmem:$0x17580] =	vst v63  }
0x34: {  	_ =	swait.ge [sflag:s10], $0x4000  }
0x35: {  	[sflag:s10] =	ssyncset.done $0x0  }
0x36: {  	s16 =	simm.s32 $0x40;
	[sflag:s10] =	ssyncadd.s32 $0xFFFFC000  }
0x37: {  	v4 =	vld [tilespmem:s16+$0x30]  }
0x38: {  	v5 =	vld [tilespmem:s16+$0xFFFFFFC0]  }
0x39: {  	v6 =	vld [tilespmem:s16+$0xFFFFFFD0]  }
0x3a: {  	v7 =	vld [tilespmem:s16+$0xFFFFFFE0]  }
0x3b: {  	v8 =	vld [tilespmem:s16+$0xFFFFFFF0]  }
0x3c: {  	v10 =	vld [tilespmem:s16+$0x10];
	_ =	sdelay $0x1  }
0x3d: {  	s17 =	simm.s32 $0x70  }
0x3e: {  	v13 =	vor.u32 s17, v2;
	v9 =	vld [tilespmem:s16+$0x0];
	v4 =	vsub.s32 v4, v0  }
0x3f: {  	v11 =	vld [tilespmem:s16+$0x20];
	v5 =	vsub.s32 v5, v0;
	v6 =	vsub.s32 v6, v0;
	v7 =	vsub.s32 v7, v0  }
0x40: {  	v8 =	vsub.s32 v8, v0;
	v10 =	vsub.s32 v10, v0;
	vm5 =	vlt.u32 v4, $0x7A18  }
0x41: {  	s26 =	simm.s32 $0xC0;
	vm3 =	vlt.u32 v5, $0x7A18;
	vm1 =	vlt.u32 v6, $0x7A18;
	vm2 =	vlt.u32 v7, $0x7A18  }
0x42: {  	v14 =	vld [tilespmem:s26+$0xFFFFFFC0];
	vm7 =	vlt.u32 v8, $0x7A18;
	vm6 =	vlt.u32 v10, $0x7A18;
	v4 =	vnsel vm5, $0x0, v4  }
0x43: {  	v5 =	vnsel vm3, $0x0, v5;
	v12 =	vnsel vm2, $0x0, v7;
	v7 =	vsub.s32 v9, v0;
	v9 =	vld [tilespmem:s26+$0x30]  }
0x44: {  	s28 =	simm.s32 $0x10;
	s18 =	simm.s32 $0x0;
	v6 =	vnsel vm1, $0x0, v6;
	v15 =	vnsel vm7, $0x0, v8;
	v8 =	vsub.s32 v11, v0;
	v11 =	vld [tilespmem:s26+$0xFFFFFFD0]  }
0x45: {  	s20 =	simm.s32 $0x30;
	s29 =	simm.s32 $0x40;
	v18 =	vor.u32 s18, v2;
	v19 =	vor.u32 s28, v2;
	v17 =	vnsel vm6, $0x0, v10;
	v10 =	vld [tilespmem:s26+$0xFFFFFFE0]  }
0x46: {  	s30 =	simm.s32 $0x50;
	v20 =	vor.u32 s20, v2;
	v21 =	vor.u32 s29, v2;
	vm4 =	vlt.u32 v7, $0x7A18  }
0x47: {  	s19 =	simm.s32 $0x20;
	v63 =	vor.u32 s30, v2;
	vm0 =	vlt.u32 v8, $0x7A18;
	v16 =	vnsel vm4, $0x0, v7;
	[tilespmem:v4+s11+$0x0] =	vst.idx.msk vm5, v13;
	v13 =	vld [tilespmem:s26+$0xFFFFFFF0]  }
0x48: {  	v22 =	vld [tilespmem:s26+$0x0];
	v7 =	vnsel vm0, $0x0, v8;
	v4 =	vor.u32 s19, v2;
	v9 =	vsub.s32 v9, v0;
	[tilespmem:v5+s11+$0x0] =	vst.idx.msk vm3, v18  }
0x49: {  	v5 =	vsub.s32 v14, v0;
	[tilespmem:v6+s11+$0x0] =	vst.idx.msk vm1, v19;
	v6 =	vsub.s32 v11, v0;
	v11 =	vld [tilespmem:s26+$0x10];
	vm5 =	vlt.u32 v9, $0x7A18  }
0x4a: {  	s31 =	simm.s32 $0x60;
	vm1 =	vlt.u32 v5, $0x7A18;
	[tilespmem:v12+s11+$0x0] =	vst.idx.msk vm2, v4;
	v12 =	vsub.s32 v10, v0;
	v10 =	vld [tilespmem:s26+$0x20];
	v9 =	vnsel vm5, $0x0, v9  }
0x4b: {  	v8 =	vor.u32 s31, v2;
	[tilespmem:v15+s11+$0x0] =	vst.idx.msk vm7, v20;
	vm2 =	vlt.u32 v6, $0x7A18;
	v5 =	vnsel vm1, $0x0, v5  }
0x4c: {  	[tilespmem:v17+s11+$0x0] =	vst.idx.msk vm6, v63;
	v4 =	vnsel vm2, $0x0, v6;
	vm3 =	vlt.u32 v12, $0x7A18;
	v13 =	vsub.s32 v13, v0  }
0x4d: {  	s17 =	simm.s32 $0x8;
	s18 =	simm.s32 $0x140;
	s16 =	simm.s32 $0xF0;
	[tilespmem:v16+s11+$0x0] =	vst.idx.msk vm4, v21;
	v6 =	vnsel vm3, $0x0, v12;
	v12 =	vsub.s32 v22, v0;
	vm4 =	vlt.u32 v13, $0x7A18  }
.LBB2_2:
0x4e: {  	v14 =	vld [tilespmem:s18+$0x30];
	s17 =	sadd.s32 $0x8, s17;
	s19 =	sadd.s32 $0xFFFFFFA0, s16;
	s20 =	sadd.s32 $0xFFFFFFB0, s16;
	vm6 =	vlt.u32 v12, $0x7A18;
	v11 =	vsub.s32 v11, v0;
	v15 =	vor.u32 s16, v2;
	[tilespmem:v7+s11+$0x0] =	vst.idx.msk vm0, v8  }
0x4f: {  	s21 =	sadd.s32 $0xFFFFFFC0, s16;
	v13 =	vnsel vm4, $0x0, v13;
	s22 =	sadd.s32 $0xFFFFFFD0, s16;
	v16 =	vld [tilespmem:s18+$0xFFFFFFC0];
	p0 =	slt.u32 s17, $0x3F8;
	vm7 =	vlt.u32 v11, $0x7A18;
	v7 =	vsub.s32 v10, v0;
	[tilespmem:v9+s11+$0x0] =	vst.idx.msk vm5, v15  }
0x50: {  	s23 =	sadd.s32 $0xFFFFFF90, s16;
	s24 =	sadd.s32 $0xFFFFFFE0, s16;
	s25 =	sadd.s32 $0xFFFFFFF0, s16;
	v12 =	vnsel vm6, $0x0, v12;
	v9 =	vld [tilespmem:s18+$0xFFFFFFD0];
	v15 =	vnsel vm7, $0x0, v11;
	vm0 =	vlt.u32 v7, $0x7A18  }
0x51: {  	v8 =	vor.u32 s23, v2;
	v10 =	vor.u32 s19, v2;
	v17 =	vld [tilespmem:s18+$0xFFFFFFE0];
	v7 =	vnsel vm0, $0x0, v7  }
0x52: {  	v19 =	vor.u32 s20, v2;
	v20 =	vor.u32 s21, v2;
	v21 =	vor.u32 s22, v2;
	v18 =	vld [tilespmem:s18+$0xFFFFFFF0]  }
0x53: {  	v23 =	vor.u32 s24, v2;
	v22 =	vld [tilespmem:s18+$0x0];
	v14 =	vsub.s32 v14, v0;
	[tilespmem:v5+s11+$0x0] =	vst.idx.msk vm1, v8;
	v8 =	vor.u32 s25, v2  }
.Ltmp2:
0x54: {  	v5 =	vsub.s32 v16, v0;
	v11 =	vld [tilespmem:s18+$0x10];
	vm5 =	vlt.u32 v14, $0x7A18;
	[tilespmem:v4+s11+$0x0] =	vst.idx.msk vm2, v10;
	(pc) =	sbr.rel @p0 .LBB2_2-.Ltmp2, $4  }
0x55: {  	vm1 =	vlt.u32 v5, $0x7A18;
	v4 =	vsub.s32 v9, v0;
	v10 =	vld [tilespmem:s18+$0x20];
	v9 =	vnsel vm5, $0x0, v14;
	[tilespmem:v6+s11+$0x0] =	vst.idx.msk vm3, v19  }
0x56: {  	v5 =	vnsel vm1, $0x0, v5;
	vm2 =	vlt.u32 v4, $0x7A18;
	v6 =	vsub.s32 v17, v0;
	[tilespmem:v13+s11+$0x0] =	vst.idx.msk vm4, v20  }
0x57: {  	v4 =	vnsel vm2, $0x0, v4;
	vm3 =	vlt.u32 v6, $0x7A18;
	v13 =	vsub.s32 v18, v0;
	[tilespmem:v12+s11+$0x0] =	vst.idx.msk vm6, v21  }
0x58: {  	s16 =	sadd.s32 $0x80, s16;
	s18 =	sadd.s32 $0x80, s18;
	v6 =	vnsel vm3, $0x0, v6;
	vm4 =	vlt.u32 v13, $0x7A18;
	v12 =	vsub.s32 v22, v0;
	[tilespmem:v15+s11+$0x0] =	vst.idx.msk vm7, v23  }
0x59: {  	_ =	sdelay $0x3  }
0x5a: {  	vm6 =	vlt.u32 v12, $0x7A18;
	v11 =	vsub.s32 v11, v0  }
0x5b: {  	v14 =	vor.u32 s16, v2;
	[tilespmem:v7+s11+$0x0] =	vst.idx.msk vm0, v8;
	v7 =	vnsel vm4, $0x0, v13;
	s17 =	sadd.s32 $0xFFFFFF90, s16;
	vm0 =	vlt.u32 v11, $0x7A18  }
0x5c: {  	s18 =	sadd.s32 $0xFFFFFFA0, s16;
	v8 =	vsub.s32 v10, v0;
	[tilespmem:v9+s11+$0x0] =	vst.idx.msk vm5, v14;
	v9 =	vnsel vm6, $0x0, v12;
	v10 =	vor.u32 s17, v2  }
0x5d: {  	s23 =	sadd.s32 $0xFFFFFFB0, s16;
	v12 =	vor.u32 s18, v2;
	v11 =	vnsel vm0, $0x0, v11;
	vm5 =	vlt.u32 v8, $0x7A18;
	[tilespmem:v5+s11+$0x0] =	vst.idx.msk vm1, v10  }
0x5e: {  	s24 =	sadd.s32 $0xFFFFFFC0, s16;
	[tilespmem:v4+s11+$0x0] =	vst.idx.msk vm2, v12;
	v5 =	vnsel vm5, $0x0, v8;
	v8 =	vor.u32 s23, v2  }
0x5f: {  	s25 =	sadd.s32 $0xFFFFFFD0, s16;
	v4 =	vor.u32 s24, v2;
	[tilespmem:v6+s11+$0x0] =	vst.idx.msk vm3, v8  }
0x60: {  	s26 =	sadd.s32 $0xFFFFFFE0, s16;
	v6 =	vor.u32 s25, v2;
	[tilespmem:v7+s11+$0x0] =	vst.idx.msk vm4, v4  }
0x61: {  	s28 =	sadd.s32 $0xFFFFFFF0, s16;
	v4 =	vor.u32 s26, v2;
	[tilespmem:v9+s11+$0x0] =	vst.idx.msk vm6, v6  }
0x62: {  	v6 =	vor.u32 s28, v2;
	[tilespmem:v11+s11+$0x0] =	vst.idx.msk vm0, v4  }
0x63: {  	[tilespmem:v5+s11+$0x0] =	vst.idx.msk vm5, v6  }
0x64: {  	_ =	swait.ge [sflag:s12], $0x7A18  }
0x65: {  	[sflag:s12] =	ssyncset.done $0x0  }
0x66: {  	[sflag:s12] =	ssyncadd.s32 $0xFFFF85E8  }
0x67: {  	_ =	swait.ge [sflag:s13], $0x4000  }
0x68: {  	[sflag:s13] =	ssyncset.done $0x0  }
0x69: {  	s29 =	simm.s32 $0x20;
	[sflag:s13] =	ssyncadd.s32 $0xFFFFC000  }
0x6a: {  	v4 =	vld [tilespmem:s29+$0xFFFFFFE0]  }
0x6b: {  	v5 =	vld [tilespmem:s29+$0x0]  }
0x6c: {  	v6 =	vld [tilespmem:s29+$0xFFFFFFF0]  }
0x6d: {  	v7 =	vld [tilespmem:s29+$0x10];
	_ =	sdelay $0x1  }
0x6e: {  	v4 =	vsub.s32 v4, v0  }
0x6f: {  	v5 =	vsub.s32 v5, v0;
	vm2 =	vlt.u32 v4, $0x7A18  }
0x70: {  	v6 =	vsub.s32 v6, v0;
	vm1 =	vlt.u32 v5, $0x7A18;
	v4 =	vnsel vm2, $0x0, v4  }
0x71: {  	v7 =	vsub.s32 v7, v0;
	vm3 =	vlt.u32 v6, $0x7A18;
	v5 =	vnsel vm1, $0x0, v5  }
0x72: {  	vm4 =	vlt.u32 v7, $0x7A18;
	v6 =	vnsel vm3, $0x0, v6  }
0x73: {  	v7 =	vnsel vm4, $0x0, v7;
	_ =	sdelay $0x1  }
0x74: {  	v9 =	vld.idx.msk [tilespmem:v4+s11+$0x0], vm2  }
0x75: {  	v10 =	vld.idx.msk [tilespmem:v5+s11+$0x0], vm1  }
0x76: {  	v11 =	vld.idx.msk [tilespmem:v6+s11+$0x0], vm3  }
0x77: {  	s30 =	simm.s32 $0x0;
	s31 =	simm.s32 $0x20;
	s20 =	simm.s32 $0x10;
	v13 =	vld.idx.msk [tilespmem:v7+s11+$0x0], vm4  }
0x78: {  	s19 =	simm.s32 $0x60;
	s18 =	simm.s32 $0x30;
	v15 =	vor.u32 s30, v2;
	v16 =	vor.u32 s20, v2;
	v12 =	vor.u32 s31, v2  }
0x79: {  	v14 =	vor.u32 s18, v2;
	v8 =	vimm.f32 $0.0e+00;
	v17 =	vld [tilespmem:s19+$0xFFFFFFE0];
	v6 =	vadd.s32 v1, v6  }
0x7a: {  	v18 =	vld [tilespmem:s19+$0xFFFFFFF0];
	vm2 =	vmmov vm2;
	vm4 =	vmmov vm4;
	v5 =	vadd.s32 v1, v5  }
0x7b: {  	vm0 =	veq.s32 v9, v15;
	vm5 =	vgt.s32 v15, v9;
	vm6 =	veq.s32 v10, v12;
	v9 =	vld [tilespmem:s19+$0x0]  }
0x7c: {  	vm8 =	vgt.s32 v14, v13;
	vm7 =	vgt.s32 v16, v11;
	vm9 =	vgt.s32 v12, v10  }
0x7d: {  	vm5 =	vmand vm2, vm5;
	vm6 =	vmand vm1, vm6;
	vm9 =	vmand vm1, vm9  }
0x7e: {  	v19 =	vld [tilespmem:s19+$0x10];
	vm8 =	vmand vm4, vm8;
	v15 =	vsel vm5, $0x3F800000, v3;
	vm5 =	veq.s32 v11, v16  }
0x7f: {  	v11 =	vsub.s32 v17, v0;
	v16 =	vsub.s32 v18, v0;
	vm5 =	vmand vm3, vm5  }
0x80: {  	vm3 =	vmand vm3, vm7;
	vm7 =	vlt.u32 v11, $0x7A18;
	v9 =	vsub.s32 v9, v0  }
0x81: {  	s21 =	simm.s32 $0x4020;
	v15 =	vadd.f32 v15, v8;
	v21 =	vnsel vm7, $0x0, v11;
	vm1 =	vlt.u32 v9, $0x7A18  }
0x82: {  	v12 =	vsel vm3, $0x3F800000, v3;
	v11 =	vld [tilespmem:s21+$0x0];
	vm3 =	vlt.u32 v16, $0x7A18;
	v9 =	vnsel vm1, $0x0, v9  }
0x83: {  	v12 =	vadd.f32 v12, v15;
	v15 =	vsub.s32 v19, v0;
	v16 =	vnsel vm3, $0x0, v16;
	v5 =	vld.idx.msk [tilespmem:v5+s9+$0x0], vm6  }
0x84: {  	s23 =	simm.s32 $0x70;
	v10 =	vld [tilespmem:s21+$0xFFFFFFF0];
	v17 =	vsel vm9, $0x3F800000, v3;
	v18 =	vsel vm8, $0x3F800000, v3;
	vm10 =	vlt.u32 v15, $0x7A18  }
0x85: {  	vm8 =	veq.s32 v13, v14;
	v14 =	vor.u32 s23, v2;
	v19 =	vnsel vm10, $0x0, v15;
	v6 =	vld.idx.msk [tilespmem:v6+s9+$0x0], vm5  }
0x86: {  	s22 =	simm.s32 $0x60;
	vm9 =	vmand vm2, vm0;
	vm11 =	vmand vm4, vm8;
	v12 =	vadd.f32 v17, v12;
	v15 =	vld.idx.msk [tilespmem:v21+s11+$0x0], vm7  }
0x87: {  	v20 =	vadd.s32 v1, v16;
	v17 =	vor.u32 s22, v2;
	vm8 =	vmmov vm10;
	v13 =	vld.idx.msk [tilespmem:v9+s11+$0x0], vm1  }
0x88: {  	s26 =	simm.s32 $0xA0;
	s28 =	simm.s32 $0xA0;
	v12 =	vadd.f32 v18, v12;
	v5 =	vmul.f32 v5, v11;
	v11 =	vadd.s32 v1, v7;
	v7 =	vld.idx.msk [tilespmem:v16+s11+$0x0], vm3  }
0x89: {  	s24 =	simm.s32 $0x40;
	v25 =	vld [tilespmem:s26+$0xFFFFFFF0];
	v18 =	vadd.s32 v1, v4;
	v4 =	vor.u32 s28, v2;
	v9 =	vadd.s32 v1, v9  }
0x8a: {  	s25 =	simm.s32 $0x50;
	v16 =	vld.idx.msk [tilespmem:v19+s11+$0x0], vm10;
	v6 =	vmul.f32 v6, v10;
	v10 =	vor.u32 s24, v2;
	v23 =	vnsel vm6, $0x0, v5  }
0x8b: {  	v5 =	vor.u32 s25, v2;
	vm4 =	veq.s32 v15, v10;
	vm0 =	vgt.s32 v10, v15;
	v10 =	vld [tilespmem:s26+$0xFFFFFFE0]  }
0x8c: {  	v22 =	vnsel vm5, $0x0, v6;
	vm5 =	vmmov vm7;
	vm7 =	vmmov vm11  }
0x8d: {  	v15 =	vld [tilespmem:s26+$0x0];
	vm2 =	veq.s32 v13, v17;
	vm0 =	vmand vm5, vm0;
	vm6 =	veq.s32 v7, v5  }
0x8e: {  	v6 =	vld [tilespmem:s26+$0x10];
	vm5 =	vmand vm5, vm4;
	vm10 =	vmand vm1, vm2;
	v24 =	vsel vm0, $0x3F800000, v3  }
0x8f: {  	vm0 =	vmand vm3, vm6;
	vm2 =	vgt.s32 v14, v16;
	vm6 =	vgt.s32 v5, v7;
	v5 =	vld.idx.msk [tilespmem:v18+s9+$0x0], vm9  }
0x90: {  	s16 =	simm.s32 $0x4060;
	v18 =	vsub.s32 v25, v0;
	v12 =	vadd.f32 v24, v12;
	v7 =	vsub.s32 v10, v0;
	v10 =	vld [tilespmem:s21+$0xFFFFFFE0]  }
0x91: {  	v61 =	vld [tilespmem:s16+$0x0];
	vm11 =	vmand vm8, vm2;
	vm2 =	vmand vm3, vm6;
	vm6 =	vgt.s32 v17, v13  }
0x92: {  	v28 =	vld [tilespmem:s21+$0x10];
	v15 =	vsub.s32 v15, v0;
	vm12 =	vmand vm1, vm6;
	vm3 =	vlt.u32 v7, $0x7A18  }
0x93: {  	v17 =	vld [tilespmem:s16+$0xFFFFFFF0];
	v13 =	vsub.s32 v6, v0;
	v6 =	vsel vm2, $0x3F800000, v3;
	v7 =	vnsel vm3, $0x0, v7  }
0x94: {  	vm1 =	vlt.u32 v15, $0x7A18;
	vm2 =	vlt.u32 v18, $0x7A18;
	vm6 =	vlt.u32 v13, $0x7A18;
	v27 =	vld.idx.msk [tilespmem:v11+s9+$0x0], vm7  }
0x95: {  	v11 =	vsel vm11, $0x3F800000, v3;
	v62 =	vld.idx.msk [tilespmem:v9+s9+$0x0], vm10;
	v9 =	vadd.f32 v6, v12;
	v26 =	vmul.f32 v5, v10  }
0x96: {  	v20 =	vld.idx.msk [tilespmem:v20+s9+$0x0], vm0;
	v12 =	vnsel vm2, $0x0, v18;
	v18 =	vsel vm12, $0x3F800000, v3;
	v10 =	vnsel vm1, $0x0, v15  }
0x97: {  	v5 =	vnsel vm6, $0x0, v13;
	v9 =	vadd.f32 v18, v9;
	v13 =	vnsel vm9, $0x0, v26  }
0x98: {  	s29 =	simm.s32 $0xB0;
	v6 =	vadd.s32 v1, v12;
	vm9 =	veq.s32 v16, v14;
	v18 =	vld.idx.msk [tilespmem:v7+s11+$0x0], vm3;
	v8 =	vadd.f32 v13, v8  }
0x99: {  	v63 =	vmul.f32 v27, v28;
	v15 =	vadd.f32 v11, v9;
	v9 =	vor.u32 s29, v2  }
0x9a: {  	s31 =	simm.s32 $0x90;
	v11 =	vadd.s32 v1, v19;
	v16 =	vmul.f32 v62, v61;
	v19 =	vadd.f32 v22, v8  }
0x9b: {  	s30 =	simm.s32 $0x80;
	vm11 =	vmand vm8, vm9;
	v14 =	vmul.f32 v20, v17;
	v17 =	vor.u32 s31, v2;
	v13 =	vld.idx.msk [tilespmem:v10+s11+$0x0], vm1  }
0x9c: {  	s20 =	simm.s32 $0xE0;
	v22 =	vor.u32 s30, v2;
	v8 =	vnsel vm10, $0x0, v16;
	v16 =	vld.idx.msk [tilespmem:v12+s11+$0x0], vm2;
	v20 =	vadd.f32 v23, v19  }
0x9d: {  	s17 =	simm.s32 $0x4060;
	s18 =	simm.s32 $0x8;
	s19 =	simm.s32 $0xC0;
	v12 =	vld.idx.msk [tilespmem:v5+s11+$0x0], vm6;
	vm4 =	veq.s32 v18, v22;
	v19 =	vadd.s32 v1, v21;
	v21 =	vnsel vm7, $0x0, v63  }
.LBB2_4:
0x9e: {  	vm10 =	vgt.s32 v22, v18;
	v22 =	vnsel vm0, $0x0, v14;
	v14 =	vadd.f32 v21, v20  }
0x9f: {  	v23 =	vld [tilespmem:s20+$0xFFFFFFE0];
	s21 =	sadd.s32 $0x20, s19;
	s18 =	sadd.s32 $0x4, s18;
	vm8 =	vmmov vm3;
	vm9 =	vmmov vm6;
	vm7 =	vmmov vm11  }
0xa0: {  	vm3 =	veq.s32 v13, v4;
	v18 =	vor.u32 s21, v2;
	v20 =	vld [tilespmem:s20+$0x10];
	p0 =	slt.u32 s18, $0x3FC;
	vm0 =	vmand vm8, vm10  }
0xa1: {  	vm10 =	vmand vm1, vm3;
	v21 =	vld [tilespmem:s20+$0x0];
	v24 =	vsel vm0, $0x3F800000, v3;
	vm0 =	veq.s32 v16, v17  }
0xa2: {  	v10 =	vadd.s32 v1, v10;
	vm3 =	vgt.s32 v9, v12;
	v25 =	vld [tilespmem:s20+$0xFFFFFFF0];
	vm0 =	vmand vm2, vm0  }
0xa3: {  	vm6 =	vgt.s32 v17, v16;
	v15 =	vadd.f32 v24, v15;
	vm11 =	vmand vm9, vm3;
	v16 =	vld.idx.msk [tilespmem:v19+s9+$0x0], vm5  }
0xa4: {  	s17 =	sadd.s32 $0x40, s17;
	vm2 =	vmand vm2, vm6;
	vm6 =	vgt.s32 v4, v13;
	v4 =	vmovc v18;
	v17 =	vsub.s32 v23, v0;
	v13 =	vld [tilespmem:s16+$0xFFFFFFE0]  }
0xa5: {  	vm3 =	vlt.u32 v17, $0x7A18;
	v18 =	vsub.s32 v20, v0;
	v19 =	vld [tilespmem:s17+$0xFFFFFFF0];
	v20 =	vsel vm2, $0x3F800000, v3  }
0xa6: {  	vm12 =	vmand vm1, vm6;
	v23 =	vnsel vm3, $0x0, v17;
	v17 =	vsub.s32 v21, v0;
	v21 =	vld [tilespmem:s17+$0x0]  }
0xa7: {  	vm6 =	vlt.u32 v18, $0x7A18;
	v24 =	vsub.s32 v25, v0;
	vm1 =	vlt.u32 v17, $0x7A18;
	v25 =	vld.idx.msk [tilespmem:v10+s9+$0x0], vm10  }
0xa8: {  	v15 =	vadd.f32 v20, v15;
	vm2 =	vlt.u32 v24, $0x7A18;
	v10 =	vnsel vm1, $0x0, v17;
	v17 =	vld.idx.msk [tilespmem:v6+s9+$0x0], vm0  }
0xa9: {  	v20 =	vnsel vm2, $0x0, v24;
	v24 =	vsel vm12, $0x3F800000, v3;
	v13 =	vmul.f32 v16, v13;
	v26 =	vld.idx.msk [tilespmem:v11+s9+$0x0], vm7  }
0xaa: {  	v27 =	vnsel vm6, $0x0, v18;
	v6 =	vadd.s32 v1, v20;
	v11 =	vadd.f32 v24, v15;
	v24 =	vld [tilespmem:s16+$0x10];
	s16 =	smov.u32 s17  }
0xab: {  	vm12 =	veq.s32 v12, v9;
	v9 =	vsel vm11, $0x3F800000, v3;
	v18 =	vld.idx.msk [tilespmem:v23+s11+$0x0], vm3;
	v12 =	vnsel vm5, $0x0, v13  }
0xac: {  	s21 =	sadd.s32 $0x30, s19;
	v15 =	vadd.f32 v9, v11;
	v12 =	vadd.f32 v12, v14  }
.Ltmp3:
0xad: {  	v9 =	vor.u32 s21, v2;
	v21 =	vmul.f32 v25, v21;
	v11 =	vadd.s32 v1, v5;
	v5 =	vmovc v27;
	v13 =	vld.idx.msk [tilespmem:v10+s11+$0x0], vm1;
	(pc) =	sbr.rel @p0 .LBB2_4-.Ltmp3, $4  }
0xae: {  	vm11 =	vmand vm9, vm12;
	v14 =	vmul.f32 v17, v19;
	v16 =	vld.idx.msk [tilespmem:v20+s11+$0x0], vm2;
	v19 =	vadd.f32 v22, v12  }
0xaf: {  	s21 =	sadd.s32 $0x10, s19;
	v22 =	vor.u32 s19, v2;
	v21 =	vnsel vm10, $0x0, v21;
	v12 =	vld.idx.msk [tilespmem:v27+s11+$0x0], vm6;
	v24 =	vmul.f32 v26, v24  }
0xb0: {  	vm5 =	vmand vm8, vm4;
	v17 =	vor.u32 s21, v2;
	v20 =	vadd.f32 v8, v19;
	v8 =	vmovc v21  }
0xb1: {  	s20 =	sadd.s32 $0x40, s20;
	s19 =	sadd.s32 $0x40, s19;
	vm4 =	veq.s32 v18, v22;
	v19 =	vadd.s32 v1, v7;
	v7 =	vmovc v23;
	v21 =	vnsel vm7, $0x0, v24  }
0xb2: {  	vm7 =	vgt.s32 v22, v18;
	vm3 =	vmmov vm3  }
0xb3: {  	vm7 =	vmand vm3, vm7  }
0xb4: {  	vm13 =	vgt.s32 v17, v16;
	v47 =	vsel vm7, $0x3F800000, v3  }
0xb5: {  	vm7 =	vmand vm2, vm13;
	v15 =	vadd.f32 v47, v15  }
0xb6: {  	vm8 =	vgt.s32 v4, v13;
	v48 =	vsel vm7, $0x3F800000, v3  }
0xb7: {  	vm14 =	vmand vm1, vm8;
	v15 =	vadd.f32 v48, v15  }
0xb8: {  	vm8 =	vmmov vm6;
	vm15 =	vgt.s32 v9, v12;
	v49 =	vsel vm14, $0x3F800000, v3  }
0xb9: {  	vm6 =	vmand vm8, vm15;
	v15 =	vadd.f32 v49, v15  }
0xba: {  	v50 =	vsel vm6, $0x3F800000, v3  }
0xbb: {  	v15 =	vadd.f32 v50, v15;
	_ =	sdelay $0x1  }
0xbc: {  	(xrf0) =	vmax.scan.msk.f32 $0xffff, v15;
	_ =	sdelay $0x5  }
0xbd: {  	v51 =	vld.idx.msk [tilespmem:v19+s9+$0x0], vm5;
	v53, _, _ =	vpop (xrf0)  }
0xbe: {  	v52 =	vld [tilespmem:s16+$0xFFFFFFE0];
	(v2sf) =	vpush v53, $0xF;
	_ =	sdelay $0x1  }
0xbf: {  	vm3 =	vmand vm3, vm4  }
0xc0: {  	v7 =	vadd.s32 v1, v7;
	vm9 =	veq.s32 v16, v17  }
0xc1: {  	vm10 =	vmand vm2, vm9  }
0xc2: {  	vm12 =	veq.s32 v13, v4;
	v11 =	vld.idx.msk [tilespmem:v11+s9+$0x0], vm11;
	v4 =	vmul.f32 v51, v52  }
0xc3: {  	v54 =	vadd.f32 v21, v20;
	v55 =	vld [tilespmem:s16+$0x10];
	s30 =	sadd.s32 $0x40, s17;
	vm13 =	veq.s32 v12, v9;
	vm14 =	vmand vm1, vm12  }
0xc4: {  	v10 =	vadd.s32 v1, v10;
	v56 =	vld [tilespmem:s30+$0xFFFFFFE0];
	vm15 =	vmand vm8, vm13;
	v4 =	vnsel vm5, $0x0, v4  }
0xc5: {  	vm4 =	vmmov vm15;
	v7 =	vld.idx.msk [tilespmem:v7+s9+$0x0], vm3;
	v4 =	vadd.f32 v4, v54  }
0xc6: {  	v5 =	vadd.s32 v1, v5;
	v57 =	vnsel vm0, $0x0, v14;
	v58 =	vld [tilespmem:s30+$0xFFFFFFF0]  }
0xc7: {  	v6 =	vld.idx.msk [tilespmem:v6+s9+$0x0], vm10;
	v4 =	vadd.f32 v57, v4  }
0xc8: {  	v59 =	vld [tilespmem:s30+$0x0];
	v11 =	vmul.f32 v11, v55  }
0xc9: {  	vm6 =	vmmov vm11;
	v10 =	vld.idx.msk [tilespmem:v10+s9+$0x0], vm14;
	v4 =	vadd.f32 v8, v4  }
0xca: {  	v61 =	vld [tilespmem:s30+$0x10];
	v60 =	vnsel vm6, $0x0, v11;
	v7 =	vmul.f32 v7, v56  }
0xcb: {  	v5 =	vld.idx.msk [tilespmem:v5+s9+$0x0], vm4;
	v4 =	vadd.f32 v60, v4  }
0xcc: {  	v6 =	vmul.f32 v6, v58;
	v7 =	vnsel vm3, $0x0, v7;
	s31 =	spop (v2sf)  }
0xcd: {  	v4 =	vadd.f32 v7, v4;
	p0 =	slt.f32 s31, $0.0e+00;
	p1 =	sgt.f32 s31, $0.0e+00  }
0xce: {  	v62 =	vmul.f32 v10, v59;
	v6 =	vnsel vm10, $0x0, v6  }
0xcf: {  	v4 =	vadd.f32 v6, v4;
	p0 =	por p1, p0  }
0xd0: {  	v63 =	vnsel vm14, $0x0, v62;
	v5 =	vmul.f32 v5, v61;
	p0 =	por !p0, !p0  }
.Ltmp4:
0xd1: {  	v4 =	vadd.f32 v63, v4;
	(pc) =	sbr.rel @!p0 .LBB2_6-.Ltmp4, $4  }
.Ltmp5:
0xd2: {  	v5 =	vnsel vm4, $0x0, v5;
	(pc) =	sbr.rel @p0 .LBB2_12-.Ltmp5, $4  }
0xd3: {  	v4 =	vadd.f32 v5, v4  }
0xd4: {  	_ = 	snop  }
0xd5: {  	s16 =	simm.s32 $0x0;
	s17 =	simm.s32 $0x0;
	[tilespmem:$0x17500] =	vst v4  }
0xd6: {  	_ = 	snop  }
.LBB2_8:
0xd7: {  	s17 =	sadd.s32 $0x10, s17  }
0xd8: {  	p0 =	sne.s32 s17, $0x4000  }
.Ltmp6:
0xd9: {  	_ = 	snop;
	(pc) =	sbr.rel @!p0 .LBB2_9-.Ltmp6, $2  }
0xda: {  	_ =	sdelay $0x2  }
0xdb: {  	s16 =	sadd.s32 $0x10, s16  }
.LBB2_6:
0xdc: {  	v4 =	vld [tilespmem:s16+$0x0];
	_ =	sdelay $0x4  }
0xdd: {  	v4 =	vsub.s32 v4, v0  }
0xde: {  	vm0 =	vlt.u32 v4, $0x7A18  }
0xdf: {  	v4 =	vnsel vm0, $0x0, v4;
	_ =	sdelay $0x4  }
0xe0: {  	v6 =	vld.idx.msk [tilespmem:v4+s11+$0x0], vm0;
	_ =	sdelay $0x3  }
0xe1: {  	v5 =	vor.u32 s17, v2  }
0xe2: {  	vm1 =	vgt.s32 v5, v6  }
0xe3: {  	vm0 =	vmand vm0, vm1  }
0xe4: {  	v6 =	vmpcnt.ones.xlane vm0;
	_ =	sdelay $0x1  }
0xe5: {  	v6 =	vxor.u32 $0x80000000, v6  }
0xe6: {  	(xrf0) =	vmax.scan.msk.u32 $0xffff, v6;
	_ =	sdelay $0x5  }
0xe7: {  	v6, _, _ =	vpop (xrf0)  }
0xe8: {  	(v2sf) =	vpush v6, $0xF;
	_ =	sdelay $0xe  }
0xe9: {  	s18 =	spop (v2sf)  }
0xea: {  	p0 =	seq.s32 s18, $0x80000000  }
0xeb: {  	s18 =	simm.s32 @!p0 $0xFA80  }
0xec: {  	[tilespmem:v4+s18+$0x0] =	vst.idx.msk @!p0 vm0, v5  }
0xed: {  	v6 =	vld.idx.msk @!p0 [tilespmem:v4+s18+$0x0], vm0;
	_ =	sdelay $0x4  }
0xee: {  	vm1 =	vgt.s32 @!p0 v5, v6  }
0xef: {  	vm0 =	vmand @!p0 vm0, vm1  }
0xf0: {  	v6 =	vmpcnt.ones.xlane @!p0 vm0;
	_ =	sdelay $0x1  }
0xf1: {  	v6 =	vxor.u32 @!p0 $0x80000000, v6  }
0xf2: {  	(xrf0) =	vmax.scan.msk.u32 @!p0 $0xffff, v6;
	_ =	sdelay $0x5  }
0xf3: {  	v6, _, _ =	vpop @!p0 (xrf0)  }
0xf4: {  	(v2sf) =	vpush @!p0 v6, $0xF;
	_ =	sdelay $0xe  }
0xf5: {  	s18 =	spop @!p0 (v2sf)  }
0xf6: {  	p1 =	seq.s32 @!p0 s18, $0x80000000  }
0xf7: {  	p0 =	por p0, p1  }
0xf8: {  	s18 =	simm.s32 @!p0 $0xFA80  }
0xf9: {  	[tilespmem:v4+s18+$0x0] =	vst.idx.msk @!p0 vm0, v5  }
0xfa: {  	v6 =	vld.idx.msk @!p0 [tilespmem:v4+s18+$0x0], vm0;
	_ =	sdelay $0x4  }
0xfb: {  	vm1 =	vgt.s32 @!p0 v5, v6  }
0xfc: {  	vm0 =	vmand @!p0 vm0, vm1  }
0xfd: {  	v6 =	vmpcnt.ones.xlane @!p0 vm0;
	_ =	sdelay $0x1  }
0xfe: {  	v6 =	vxor.u32 @!p0 $0x80000000, v6  }
0xff: {  	(xrf0) =	vmax.scan.msk.u32 @!p0 $0xffff, v6;
	_ =	sdelay $0x5  }
0x100: {  	v6, _, _ =	vpop @!p0 (xrf0)  }
0x101: {  	(v2sf) =	vpush @!p0 v6, $0xF;
	_ =	sdelay $0xe  }
0x102: {  	s18 =	spop @!p0 (v2sf)  }
0x103: {  	p1 =	seq.s32 @!p0 s18, $0x80000000  }
0x104: {  	p0 =	por p0, p1  }
0x105: {  	s18 =	simm.s32 @!p0 $0xFA80  }
0x106: {  	[tilespmem:v4+s18+$0x0] =	vst.idx.msk @!p0 vm0, v5  }
0x107: {  	v6 =	vld.idx.msk @!p0 [tilespmem:v4+s18+$0x0], vm0;
	_ =	sdelay $0x4  }
0x108: {  	vm1 =	vgt.s32 @!p0 v5, v6  }
0x109: {  	vm0 =	vmand @!p0 vm0, vm1  }
0x10a: {  	v6 =	vmpcnt.ones.xlane @!p0 vm0;
	_ =	sdelay $0x1  }
0x10b: {  	v6 =	vxor.u32 @!p0 $0x80000000, v6  }
0x10c: {  	(xrf0) =	vmax.scan.msk.u32 @!p0 $0xffff, v6;
	_ =	sdelay $0x5  }
0x10d: {  	v6, _, _ =	vpop @!p0 (xrf0)  }
0x10e: {  	(v2sf) =	vpush @!p0 v6, $0xF;
	_ =	sdelay $0xe  }
0x10f: {  	s18 =	spop @!p0 (v2sf)  }
0x110: {  	p1 =	seq.s32 @!p0 s18, $0x80000000  }
0x111: {  	p0 =	por p0, p1  }
0x112: {  	s18 =	simm.s32 @!p0 $0xFA80  }
0x113: {  	[tilespmem:v4+s18+$0x0] =	vst.idx.msk @!p0 vm0, v5  }
0x114: {  	v6 =	vld.idx.msk @!p0 [tilespmem:v4+s18+$0x0], vm0;
	_ =	sdelay $0x4  }
0x115: {  	vm1 =	vgt.s32 @!p0 v5, v6  }
0x116: {  	vm0 =	vmand @!p0 vm0, vm1  }
0x117: {  	v6 =	vmpcnt.ones.xlane @!p0 vm0;
	_ =	sdelay $0x1  }
0x118: {  	v6 =	vxor.u32 @!p0 $0x80000000, v6  }
0x119: {  	(xrf0) =	vmax.scan.msk.u32 @!p0 $0xffff, v6;
	_ =	sdelay $0x5  }
0x11a: {  	v6, _, _ =	vpop @!p0 (xrf0)  }
0x11b: {  	(v2sf) =	vpush @!p0 v6, $0xF;
	_ =	sdelay $0xe  }
0x11c: {  	s18 =	spop @!p0 (v2sf)  }
0x11d: {  	p1 =	seq.s32 @!p0 s18, $0x80000000  }
0x11e: {  	p0 =	por p0, p1  }
0x11f: {  	s18 =	simm.s32 @!p0 $0xFA80  }
0x120: {  	[tilespmem:v4+s18+$0x0] =	vst.idx.msk @!p0 vm0, v5  }
0x121: {  	v6 =	vld.idx.msk @!p0 [tilespmem:v4+s18+$0x0], vm0;
	_ =	sdelay $0x4  }
0x122: {  	vm1 =	vgt.s32 @!p0 v5, v6  }
0x123: {  	vm0 =	vmand @!p0 vm0, vm1  }
0x124: {  	v6 =	vmpcnt.ones.xlane @!p0 vm0;
	_ =	sdelay $0x1  }
0x125: {  	v6 =	vxor.u32 @!p0 $0x80000000, v6  }
0x126: {  	(xrf0) =	vmax.scan.msk.u32 @!p0 $0xffff, v6;
	_ =	sdelay $0x5  }
0x127: {  	v6, _, _ =	vpop @!p0 (xrf0)  }
0x128: {  	(v2sf) =	vpush @!p0 v6, $0xF;
	_ =	sdelay $0xe  }
0x129: {  	s18 =	spop @!p0 (v2sf)  }
0x12a: {  	p1 =	seq.s32 @!p0 s18, $0x80000000  }
0x12b: {  	p0 =	por p0, p1  }
0x12c: {  	s18 =	simm.s32 @!p0 $0xFA80  }
0x12d: {  	[tilespmem:v4+s18+$0x0] =	vst.idx.msk @!p0 vm0, v5  }
0x12e: {  	v6 =	vld.idx.msk @!p0 [tilespmem:v4+s18+$0x0], vm0;
	_ =	sdelay $0x4  }
0x12f: {  	vm1 =	vgt.s32 @!p0 v5, v6  }
0x130: {  	vm0 =	vmand @!p0 vm0, vm1  }
0x131: {  	v6 =	vmpcnt.ones.xlane @!p0 vm0;
	_ =	sdelay $0x1  }
0x132: {  	v6 =	vxor.u32 @!p0 $0x80000000, v6  }
0x133: {  	(xrf0) =	vmax.scan.msk.u32 @!p0 $0xffff, v6;
	_ =	sdelay $0x5  }
0x134: {  	v6, _, _ =	vpop @!p0 (xrf0)  }
0x135: {  	(v2sf) =	vpush @!p0 v6, $0xF;
	_ =	sdelay $0xe  }
0x136: {  	s18 =	spop @!p0 (v2sf)  }
0x137: {  	p1 =	seq.s32 @!p0 s18, $0x80000000  }
0x138: {  	p0 =	por p0, p1  }
0x139: {  	s18 =	simm.s32 @!p0 $0xFA80  }
0x13a: {  	[tilespmem:v4+s18+$0x0] =	vst.idx.msk @!p0 vm0, v5  }
0x13b: {  	v6 =	vld.idx.msk @!p0 [tilespmem:v4+s18+$0x0], vm0;
	_ =	sdelay $0x4  }
0x13c: {  	vm1 =	vgt.s32 @!p0 v5, v6  }
0x13d: {  	vm0 =	vmand @!p0 vm0, vm1  }
0x13e: {  	v6 =	vmpcnt.ones.xlane @!p0 vm0;
	_ =	sdelay $0x1  }
0x13f: {  	v6 =	vxor.u32 @!p0 $0x80000000, v6  }
0x140: {  	(xrf0) =	vmax.scan.msk.u32 @!p0 $0xffff, v6;
	_ =	sdelay $0x5  }
0x141: {  	v6, _, _ =	vpop @!p0 (xrf0)  }
0x142: {  	(v2sf) =	vpush @!p0 v6, $0xF;
	_ =	sdelay $0xe  }
0x143: {  	s18 =	spop @!p0 (v2sf)  }
0x144: {  	p1 =	seq.s32 @!p0 s18, $0x80000000  }
0x145: {  	p0 =	por p0, p1  }
0x146: {  	s18 =	simm.s32 @!p0 $0xFA80  }
0x147: {  	[tilespmem:v4+s18+$0x0] =	vst.idx.msk @!p0 vm0, v5  }
0x148: {  	v6 =	vld.idx.msk @!p0 [tilespmem:v4+s18+$0x0], vm0;
	_ =	sdelay $0x4  }
0x149: {  	vm1 =	vgt.s32 @!p0 v5, v6  }
0x14a: {  	vm0 =	vmand @!p0 vm0, vm1  }
0x14b: {  	v6 =	vmpcnt.ones.xlane @!p0 vm0;
	_ =	sdelay $0x1  }
0x14c: {  	v6 =	vxor.u32 @!p0 $0x80000000, v6  }
0x14d: {  	(xrf0) =	vmax.scan.msk.u32 @!p0 $0xffff, v6;
	_ =	sdelay $0x5  }
0x14e: {  	v6, _, _ =	vpop @!p0 (xrf0)  }
0x14f: {  	(v2sf) =	vpush @!p0 v6, $0xF;
	_ =	sdelay $0xe  }
0x150: {  	s18 =	spop @!p0 (v2sf)  }
0x151: {  	p1 =	seq.s32 @!p0 s18, $0x80000000  }
0x152: {  	p0 =	por p0, p1  }
0x153: {  	s18 =	simm.s32 @!p0 $0xFA80  }
0x154: {  	[tilespmem:v4+s18+$0x0] =	vst.idx.msk @!p0 vm0, v5  }
0x155: {  	v6 =	vld.idx.msk @!p0 [tilespmem:v4+s18+$0x0], vm0;
	_ =	sdelay $0x4  }
0x156: {  	vm1 =	vgt.s32 @!p0 v5, v6  }
0x157: {  	vm0 =	vmand @!p0 vm0, vm1  }
0x158: {  	v6 =	vmpcnt.ones.xlane @!p0 vm0;
	_ =	sdelay $0x1  }
0x159: {  	v6 =	vxor.u32 @!p0 $0x80000000, v6  }
0x15a: {  	(xrf0) =	vmax.scan.msk.u32 @!p0 $0xffff, v6;
	_ =	sdelay $0x5  }
0x15b: {  	v6, _, _ =	vpop @!p0 (xrf0)  }
0x15c: {  	(v2sf) =	vpush @!p0 v6, $0xF;
	_ =	sdelay $0xe  }
0x15d: {  	s18 =	spop @!p0 (v2sf)  }
0x15e: {  	p1 =	seq.s32 @!p0 s18, $0x80000000  }
0x15f: {  	p0 =	por p0, p1  }
0x160: {  	s18 =	simm.s32 @!p0 $0xFA80  }
0x161: {  	[tilespmem:v4+s18+$0x0] =	vst.idx.msk @!p0 vm0, v5  }
0x162: {  	v6 =	vld.idx.msk @!p0 [tilespmem:v4+s18+$0x0], vm0;
	_ =	sdelay $0x4  }
0x163: {  	vm1 =	vgt.s32 @!p0 v5, v6  }
0x164: {  	vm0 =	vmand @!p0 vm0, vm1  }
0x165: {  	v6 =	vmpcnt.ones.xlane @!p0 vm0;
	_ =	sdelay $0x1  }
0x166: {  	v6 =	vxor.u32 @!p0 $0x80000000, v6  }
0x167: {  	(xrf0) =	vmax.scan.msk.u32 @!p0 $0xffff, v6;
	_ =	sdelay $0x5  }
0x168: {  	v6, _, _ =	vpop @!p0 (xrf0)  }
0x169: {  	(v2sf) =	vpush @!p0 v6, $0xF;
	_ =	sdelay $0xe  }
0x16a: {  	s18 =	spop @!p0 (v2sf)  }
0x16b: {  	p1 =	seq.s32 @!p0 s18, $0x80000000  }
0x16c: {  	p0 =	por p0, p1  }
.Ltmp7:
0x16d: {  	_ = 	snop;
	(pc) =	sbr.rel @p0 .LBB2_8-.Ltmp7, $1  }
0x16e: {  	_ =	sdelay $0x3  }
0x16f: {  	_ =	sdelay $0x4  }
0x170: {  	[tilespmem:v4+s11+$0x0] =	vst.idx.msk vm0, v5  }
0x171: {  	v6 =	vld.idx.msk [tilespmem:v4+s11+$0x0], vm0;
	_ =	sdelay $0x4  }
0x172: {  	vm1 =	vgt.s32 v5, v6  }
0x173: {  	vm0 =	vmand vm0, vm1  }
0x174: {  	v63 =	vmpcnt.ones.xlane vm0;
	_ =	sdelay $0x1  }
0x175: {  	v6 =	vxor.u32 $0x80000000, v63  }
0x176: {  	(xrf0) =	vmax.scan.msk.u32 $0xffff, v6;
	_ =	sdelay $0x5  }
0x177: {  	v6, _, _ =	vpop (xrf0)  }
0x178: {  	(v2sf) =	vpush v6, $0xF;
	_ =	sdelay $0xe  }
0x179: {  	s18 =	spop (v2sf)  }
0x17a: {  	p0 =	seq.s32 s18, $0x80000000  }
0x17b: {  	s18 =	simm.s32 @!p0 $0xFA80  }
0x17c: {  	[tilespmem:v4+s18+$0x0] =	vst.idx.msk @!p0 vm0, v5  }
0x17d: {  	v6 =	vld.idx.msk @!p0 [tilespmem:v4+s18+$0x0], vm0;
	_ =	sdelay $0x4  }
0x17e: {  	vm1 =	vgt.s32 @!p0 v5, v6  }
0x17f: {  	vm0 =	vmand @!p0 vm0, vm1  }
0x180: {  	v6 =	vmpcnt.ones.xlane @!p0 vm0;
	_ =	sdelay $0x1  }
0x181: {  	v6 =	vxor.u32 @!p0 $0x80000000, v6  }
0x182: {  	(xrf0) =	vmax.scan.msk.u32 @!p0 $0xffff, v6;
	_ =	sdelay $0x5  }
0x183: {  	v6, _, _ =	vpop @!p0 (xrf0)  }
0x184: {  	(v2sf) =	vpush @!p0 v6, $0xF;
	_ =	sdelay $0xe  }
0x185: {  	s18 =	spop @!p0 (v2sf)  }
0x186: {  	p1 =	seq.s32 @!p0 s18, $0x80000000  }
0x187: {  	p2 =	por p1, p0  }
0x188: {  	s18 =	simm.s32 @!p2 $0xFA80  }
0x189: {  	[tilespmem:v4+s18+$0x0] =	vst.idx.msk @!p2 vm0, v5  }
0x18a: {  	v6 =	vld.idx.msk @!p2 [tilespmem:v4+s18+$0x0], vm0;
	_ =	sdelay $0x4  }
0x18b: {  	vm1 =	vgt.s32 @!p2 v5, v6  }
0x18c: {  	vm0 =	vmand @!p2 vm0, vm1  }
0x18d: {  	v6 =	vmpcnt.ones.xlane @!p2 vm0;
	_ =	sdelay $0x1  }
0x18e: {  	v6 =	vxor.u32 @!p2 $0x80000000, v6  }
0x18f: {  	(xrf0) =	vmax.scan.msk.u32 @!p2 $0xffff, v6;
	_ =	sdelay $0x5  }
0x190: {  	v6, _, _ =	vpop @!p2 (xrf0)  }
0x191: {  	(v2sf) =	vpush @!p2 v6, $0xF;
	_ =	sdelay $0xe  }
0x192: {  	s18 =	spop @!p2 (v2sf)  }
0x193: {  	p3 =	seq.s32 @!p2 s18, $0x80000000  }
0x194: {  	p4 =	por @!p0 p3, p1  }
0x195: {  	p4 =	por p4, p0  }
0x196: {  	s18 =	simm.s32 @!p4 $0xFA80  }
0x197: {  	[tilespmem:v4+s18+$0x0] =	vst.idx.msk @!p4 vm0, v5  }
0x198: {  	v6 =	vld.idx.msk @!p4 [tilespmem:v4+s18+$0x0], vm0;
	_ =	sdelay $0x4  }
0x199: {  	vm1 =	vgt.s32 @!p4 v5, v6  }
0x19a: {  	vm0 =	vmand @!p4 vm0, vm1  }
0x19b: {  	v6 =	vmpcnt.ones.xlane @!p4 vm0;
	_ =	sdelay $0x1  }
0x19c: {  	v6 =	vxor.u32 @!p4 $0x80000000, v6  }
0x19d: {  	(xrf0) =	vmax.scan.msk.u32 @!p4 $0xffff, v6;
	_ =	sdelay $0x5  }
0x19e: {  	v6, _, _ =	vpop @!p4 (xrf0)  }
0x19f: {  	(v2sf) =	vpush @!p4 v6, $0xF;
	_ =	sdelay $0xe  }
0x1a0: {  	s18 =	spop @!p4 (v2sf)  }
0x1a1: {  	p4 =	seq.s32 @!p4 s18, $0x80000000  }
.Ltmp8:
0x1a2: {  	p2 =	por @!p2 p4, p3;
	(pc) =	sbr.rel .LBB2_8-.Ltmp8, $4  }
0x1a3: {  	p1 =	por @!p0 p2, p1  }
0x1a4: {  	p0 =	por p1, p0  }
0x1a5: {  	s18 =	simm.s32 @!p0 $0xFA80  }
0x1a6: {  	[tilespmem:v4+s18+$0x0] =	vst.idx.msk @!p0 vm0, v5  }
.LBB2_9:
0x1a7: {  	s18 =	simm.s32 $0x0  }
0x1a8: {  	v4 =	vld [tilespmem:s18+$0x0];
	_ =	sdelay $0x4  }
0x1a9: {  	s19 =	simm.s32 $0x10;
	v4 =	vsub.s32 v4, v0  }
0x1aa: {  	v5 =	vld [tilespmem:s19+$0x0];
	vm0 =	vlt.u32 v4, $0x7A18  }
0x1ab: {  	v4 =	vnsel vm0, $0x0, v4;
	_ =	sdelay $0x2  }
0x1ac: {  	s16 =	simm.s32 $0x20  }
0x1ad: {  	v6 =	vld [tilespmem:s16+$0x0];
	v5 =	vsub.s32 v5, v0  }
0x1ae: {  	vm1 =	vlt.u32 v5, $0x7A18;
	v7 =	vld.idx.msk [tilespmem:v4+s11+$0x0], vm0  }
0x1af: {  	v8 =	vnsel vm1, $0x0, v5;
	_ =	sdelay $0x2  }
0x1b0: {  	s17 =	simm.s32 $0x30;
	v5 =	vsub.s32 v6, v0;
	v6 =	vor.u32 s18, v2;
	vm0 =	vmmov vm0  }
0x1b1: {  	v9 =	vld [tilespmem:s17+$0x0];
	vm2 =	vlt.u32 v5, $0x7A18;
	vm0 =	vmmov vm0;
	vm3 =	veq.s32 v7, v6  }
0x1b2: {  	v5 =	vnsel vm2, $0x0, v5;
	v6 =	vld.idx.msk [tilespmem:v8+s11+$0x0], vm1;
	vm0 =	vmand vm0, vm3  }
0x1b3: {  	v7 =	vadd.s32 v1, v4;
	_ =	sdelay $0x1  }
0x1b4: {  	v12 =	vor.u32 s19, v2;
	s18 =	simm.s32 $0x40  }
0x1b5: {  	v11 =	vsub.s32 v9, v0;
	v10 =	vld [tilespmem:s18+$0x0];
	vm4 =	vmmov vm2;
	vm1 =	vmmov vm1  }
0x1b6: {  	v9 =	vld.idx.msk [tilespmem:v5+s11+$0x0], vm2;
	vm1 =	vmmov vm1;
	vm3 =	vlt.u32 v11, $0x7A18;
	vm2 =	veq.s32 v6, v12  }
0x1b7: {  	s19 =	simm.s32 $0x4000;
	vm5 =	vmmov vm4;
	v12 =	vnsel vm3, $0x0, v11;
	vm2 =	vmand vm1, vm2;
	v6 =	vld.idx.msk [tilespmem:v7+s9+$0x0], vm0  }
0x1b8: {  	v4 =	vimm.f32 $0.0e+00;
	v8 =	vadd.s32 v1, v8;
	vm6 =	vmmov vm0;
	v7 =	vld [tilespmem:s19+$0x0]  }
0x1b9: {  	s20 =	simm.s32 $0x50;
	s21 =	simm.s32 $0x50;
	vm4 =	vmmov vm3;
	vm1 =	vmmov vm6;
	v11 =	vmovc v12;
	vm0 =	vmmov vm2  }
.LBB2_10:
0x1ba: {  	v14 =	vor.u32 s16, v2;
	s16 =	smov.u32 s17  }
0x1bb: {  	v13 =	vsub.s32 v10, v0;
	v10 =	vld [tilespmem:s21+$0x0];
	s17 =	smov.u32 s18;
	s18 =	smov.u32 s20;
	p0 =	sne.s32 s20, $0x3FF0  }
.Ltmp9:
0x1bc: {  	s20 =	sadd.s32 $0x10, s20;
	vm6 =	veq.s32 v9, v14;
	v9 =	vld.idx.msk [tilespmem:v12+s11+$0x0], vm3;
	vm3 =	vlt.u32 v13, $0x7A18;
	(pc) =	sbr.rel @p0 .LBB2_10-.Ltmp9, $4  }
0x1bd: {  	s19 =	sadd.s32 $0x10, s19;
	v12 =	vnsel vm3, $0x0, v13;
	v13 =	vmul.f32 v6, v7;
	v6 =	vld.idx.msk [tilespmem:v8+s9+$0x0], vm2;
	vm2 =	vmand vm5, vm6  }
0x1be: {  	v8 =	vadd.s32 v1, v5;
	v5 =	vmovc v11;
	vm5 =	vmmov vm4;
	vm4 =	vmmov vm3;
	v7 =	vld [tilespmem:s19+$0x0];
	v11 =	vmovc v12  }
0x1bf: {  	v13 =	vnsel vm1, $0x0, v13;
	vm1 =	vmmov vm0;
	vm0 =	vmmov vm2  }
0x1c0: {  	s21 =	sadd.s32 $0x10, s21;
	v4 =	vadd.f32 v13, v4  }
.Ltmp10:
0x1c1: {  	_ = 	snop;
	(pc) =	sbr.rel .LBB2_11-.Ltmp10, $1  }
0x1c2: {  	_ =	sdelay $0x3  }
.LBB2_13:
0x1c3: {  	_ =	sfence.sel $0x180000  }
0x1c4: {  	[bflag:$0x0] =	sbarrier.arrive $0xFFFF  }
0x1c5: {  	p0 =	sne.s32 s0, $0x0;
	_ =	strace $0x90000047  }
0x1c6: {  	s0 =	sadd.s32 @!p0 $0x100000, s3;
	[bflag:$0x2] =	sbarrier.arrive $0xFFFF  }
0x1c7: {  	[sflag:s0] =	ssyncadd.tile.s32 @!p0 $0x1;
	_ =	shalt  }
.Lfunc_end2:
_tile_overlayer_lowered:
.L_overlay_start_2:
0x1c8: {  	(tag) =	ssettag $0x2  }
0x1c9: {  	s0 =	rddreg [dreg:$0x0];
	s2 =	stileid.u32  }
0x1ca: {  	s1 =	rddreg [dreg:$0x1];
	p0 =	sne.s32 s2, $0x0  }
0x1cb: {  	s3 =	rddreg [dreg:$0x2];
	[bflag:$0x3] =	sbarrier.arrive $0xFFFF;
	s2 =	simm.s32 @!p0 $0x1C03  }
0x1cc: {  	[timem:s3], [sflag:s2] =	dma.local @!p0 [hbm:s0], s1  }
0x1cd: {  	s0 =	simm.s32 @!p0 $0x3  }
0x1ce: {  	_ =	swait.ge @!p0 [sflag:s0], s1  }
0x1cf: {  	s1 =	ssub.s32 @!p0 $0x0, s1;
	[sflag:s0] =	ssyncset.done @!p0 $0x0  }
0x1d0: {  	[sflag:s0] =	ssyncadd.s32 @!p0 s1  }
0x1d1: {  	[bflag:$0x3] =	sbarrier.arrive $0xFFFF  }
0x1d2: {  	_ =	shalt  }

</sc_bundles>
